<compile_context>
chip_gen: v7x
topology: tpu7x:2x2x1
jax: 0.10.2.dev20260603
libtpu: 0.0.44.dev20260713+nightly
codegen_flags: <defaults>
</compile_context>

<pallas_src>
import functools
import math

import jax
import jax.numpy as jnp
from jax import lax
from jax.experimental import pallas as pl
from jax.experimental.pallas import tpu as pltpu
from jax.experimental.pallas import tpu_sc as plsc

D_MODEL = 64
LANES = 16
NUM_CORES = 2
NUM_SUBCORES = 16
NUM_WORKERS = NUM_CORES * NUM_SUBCORES
CHUNK = 128
NSLOTS = 6
OSLOTS = 3
SCALE = math.sqrt(D_MODEL)


def _sc_embed(xT, table, batch, hist):
    n_blocks = batch // CHUNK
    mesh = plsc.VectorSubcoreMesh(core_axis_name="c", subcore_axis_name="s")

    @functools.partial(
        pl.kernel,
        mesh=mesh,
        out_type=jax.ShapeDtypeStruct(
            (hist, 8, n_blocks, 8, 128), jnp.float32),
        scratch_types=[
            pltpu.VMEM((hist, CHUNK), jnp.int32),
            pltpu.VMEM((NSLOTS, CHUNK, D_MODEL), jnp.float32),
            pltpu.VMEM((OSLOTS, 8, 8, 129), jnp.float32),
            pltpu.SemaphoreType.DMA,
            pltpu.SemaphoreType.DMA,
        ],
        compiler_params=pltpu.CompilerParams(
            use_tc_tiling_on_sc=False, needs_layout_passes=False),
    )
    def k(xT_hbm, table_hbm, out_hbm, idx_v, rows_v, t5_v, gsem, osem):
        wid = lax.axis_index("s") * NUM_CORES + lax.axis_index("c")
        pltpu.sync_copy(xT_hbm.at[:, pl.ds(wid * CHUNK, CHUNK)], idx_v)

        def gather(h, slot):
            return pltpu.async_copy(
                table_hbm.at[idx_v.at[h]], rows_v.at[slot], gsem)

        for _p in range(4):
            gather(_p, _p)

        def transpose_scale(gslot, oslot):
            iota = lax.iota(jnp.int32, LANES)
            ti_half = jax.lax.shift_right_logical(iota, 3)
            r_vec = jax.lax.bitwise_and(iota, 7)
            dst = t5_v.at[oslot]

            @plsc.parallel_loop(0, CHUNK, unroll=8)
            def _c_loop(c):
                c16 = jnp.full((LANES,), 0, jnp.int32) + c
                for k in range(D_MODEL // LANES):
                    v = rows_v[gslot, c, pl.ds(k * LANES, LANES)]
                    plsc.store_scatter(
                        dst, [ti_half + (2 * k), r_vec, c16], v * SCALE)

        def body(h, carry):
            gslot = lax.rem(h, NSLOTS)
            oslot = lax.rem(h, OSLOTS)
            pltpu.make_async_copy(
                table_hbm.at[idx_v.at[h]], rows_v.at[gslot], gsem).wait()

            @pl.when(h >= OSLOTS)
            def _wait_out():
                pltpu.make_async_copy(
                    t5_v.at[oslot, :, :, pl.ds(0, 128)],
                    out_hbm.at[h, :, wid], osem).wait()

            transpose_scale(gslot, oslot)
            pltpu.async_copy(
                t5_v.at[oslot, :, :, pl.ds(0, 128)],
                out_hbm.at[h, :, wid], osem)

            @pl.when(h + 4 < hist)
            def _next_gather():
                gather(h + 4, lax.rem(h + 4, NSLOTS))
            return carry

        lax.fori_loop(0, hist, body, 0)

        for _ in range(OSLOTS):
            pltpu.make_async_copy(
                t5_v.at[0, :, :, pl.ds(0, 128)],
                out_hbm.at[0, :, wid], osem).wait()

    return k(xT, table)


def kernel(x, emb_weight):
    batch, hist = x.shape
    xT = x.astype(jnp.int32).T
    out5 = _sc_embed(xT, emb_weight, batch, hist)
    return out5.transpose(2, 4, 0, 1, 3).reshape(batch, hist, D_MODEL)

# --- scband reference (transcript-rebuilt; emitter-appended) ---
"""Pipeline reference for scband-embeddings-74156905333327 (READ-ONLY COPY).

The authoritative reference and input builder live on the scoring server;
editing this copy changes nothing except your own understanding.
"""

import jax, jax.numpy as jnp
import numpy as np
import math

VOCAB = 1000000
D_MODEL = 64
BATCH = 4096
HIST = 200

def setup_inputs(seed: int = 0) -> dict:
    key = jax.random.key(seed)
    k1, k2 = jax.random.split(key)
    x = jax.random.randint(k1, (BATCH, HIST), 0, VOCAB, dtype=jnp.int64 if jax.config.jax_enable_x64 else jnp.int32)
    emb_weight = jax.random.normal(k2, (VOCAB, D_MODEL), dtype=jnp.float32)
    return {"x": x, "emb_weight": emb_weight}

def reference(x, emb_weight):
    # nn.Embedding lookup followed by sqrt(d_model) scaling
    out = jnp.take(emb_weight, x, axis=0)
    return out * math.sqrt(D_MODEL)

if __name__ == "__main__":
    import jax
    _d = setup_inputs()
    print(jax.jit(kernel)(*tuple(_d.values())))

</pallas_src>

<mosaic_0001>
#map = affine_map<(d0, d1) -> (0, 0)>
#map1 = affine_map<(d0, d1) -> (0, 0, 0, 0, 0)>
module attributes {stable_mosaic.version = 14 : i64} {
  func.func @k(%arg0: i32, %arg1: i32, %arg2: memref<200x4096xi32, #tpu.memory_space<hbm>>, %arg3: memref<1000000x64xf32, #tpu.memory_space<hbm>>, %arg4: memref<200x8x32x8x128xf32, #tpu.memory_space<hbm>>, %arg5: memref<200x128xi32, #tpu.memory_space<vmem>>, %arg6: memref<6x128x64xf32, #tpu.memory_space<vmem>>, %arg7: memref<3x8x8x129xf32, #tpu.memory_space<vmem>>, %arg8: memref<!tpu.dma_semaphore, #tpu.memory_space<semaphore_mem>>, %arg9: memref<!tpu.dma_semaphore, #tpu.memory_space<semaphore_mem>>) attributes {dimension_semantics = [#tpu.dimension_semantics<core_parallel>, #tpu.dimension_semantics<subcore_parallel>], iteration_bounds = array<i64: 2, 16>, scalar_prefetch = 0 : i64, scratch_operands = 5 : i64, tpu.core_type = #tpu.core_type<sc_vector_subcore>, window_params = [{transform_indices = #map}, {transform_indices = #map}, {transform_indices = #map1}]} {
    %mul3A = arith.constant 2 : i32
    %mul3A_0 = arith.muli %arg1, %mul3A : i32
    %add3A = arith.addi %mul3A_0, %arg0 : i32
    %mul3A_1 = arith.constant 128 : i32
    %mul3A_2 = arith.muli %add3A, %mul3A_1 : i32
    "tpu.region"() ({
      %run_scoped3A = tpu.sem_alloc : memref<!tpu.dma_semaphore, #tpu.memory_space<semaphore_mem>>
      %dma_start3A_120 = arith.constant 0 : i32
      %dma_start3A_121 = tpu.memref_slice %arg2[%dma_start3A_120, %mul3A_2] : memref<200x4096xi32, #tpu.memory_space<hbm>> -> memref<200x128xi32, #tpu.memory_space<hbm>>
      %dma_start3A_122 = arith.constant 0 : i32
      %dma_start3A_123 = tpu.memref_slice %arg2[%dma_start3A_122, %mul3A_2] : memref<200x4096xi32, #tpu.memory_space<hbm>> -> memref<200x128xi32, #tpu.memory_space<hbm>>
      tpu.enqueue_dma source(%dma_start3A_123 : memref<200x128xi32, #tpu.memory_space<hbm>>) target(%arg5 : memref<200x128xi32, #tpu.memory_space<vmem>>) target_semaphore(%run_scoped3A : memref<!tpu.dma_semaphore, #tpu.memory_space<semaphore_mem>>)
      %dma_wait3A_124 = arith.constant 0 : i32
      %dma_wait3A_125 = tpu.memref_slice %arg2[%dma_wait3A_124, %mul3A_2] : memref<200x4096xi32, #tpu.memory_space<hbm>> -> memref<200x128xi32, #tpu.memory_space<hbm>>
      %dma_wait3A_126 = arith.constant 0 : i32
      %dma_wait3A_127 = tpu.memref_slice %arg2[%dma_wait3A_126, %mul3A_2] : memref<200x4096xi32, #tpu.memory_space<hbm>> -> memref<200x128xi32, #tpu.memory_space<hbm>>
      tpu.wait_dma2 semaphore(%run_scoped3A : memref<!tpu.dma_semaphore, #tpu.memory_space<semaphore_mem>>) src(%dma_wait3A_127 : memref<200x128xi32, #tpu.memory_space<hbm>>) dst(%arg5 : memref<200x128xi32, #tpu.memory_space<vmem>>)
      tpu.yield
    }) : () -> ()
    %dma_start3A = arith.constant 0 : i32
    %dma_start3A_3 = arith.constant 0 : i32
    %dma_start3A_4 = arith.constant 0 : i32
    %dma_start3A_5 = arith.constant 0 : i32
    %dma_start3A_6 = tpu.memref_slice %arg6[%dma_start3A_3, %dma_start3A_4, %dma_start3A_5] : memref<6x128x64xf32, #tpu.memory_space<vmem>> -> memref<1x128x64xf32, #tpu.memory_space<vmem>>
    %dma_start3A_7 = tpu.memref_squeeze %dma_start3A_6 : memref<1x128x64xf32, #tpu.memory_space<vmem>> -> memref<128x64xf32, #tpu.memory_space<vmem>>
    %dma_start3A_8 = arith.constant 0 : i32
    %dma_start3A_9 = tpu.memref_slice %arg5[%dma_start3A, %dma_start3A_8] : memref<200x128xi32, #tpu.memory_space<vmem>> -> memref<1x128xi32, #tpu.memory_space<vmem>>
    %dma_start3A_10 = tpu.memref_squeeze %dma_start3A_9 : memref<1x128xi32, #tpu.memory_space<vmem>> -> memref<128xi32, #tpu.memory_space<vmem>>
    %dma_start3A_11 = arith.constant 0 : i32
    %dma_start3A_12 = arith.constant 0 : i32
    %dma_start3A_13 = tpu.memref_slice %arg3[%dma_start3A_11, %dma_start3A_12] : memref<1000000x64xf32, #tpu.memory_space<hbm>> -> memref<1000000x64xf32, #tpu.memory_space<hbm>>
    tpu.enqueue_indirect_dma source(%dma_start3A_13 : memref<1000000x64xf32, #tpu.memory_space<hbm>>) target(%dma_start3A_7 : memref<128x64xf32, #tpu.memory_space<vmem>>) offsets(%dma_start3A_10 : memref<128xi32, #tpu.memory_space<vmem>>) semaphore(%arg8 : memref<!tpu.dma_semaphore, #tpu.memory_space<semaphore_mem>>)
    %dma_start3A_14 = arith.constant 1 : i32
    %dma_start3A_15 = arith.constant 1 : i32
    %dma_start3A_16 = arith.constant 0 : i32
    %dma_start3A_17 = arith.constant 0 : i32
    %dma_start3A_18 = tpu.memref_slice %arg6[%dma_start3A_15, %dma_start3A_16, %dma_start3A_17] : memref<6x128x64xf32, #tpu.memory_space<vmem>> -> memref<1x128x64xf32, #tpu.memory_space<vmem>>
    %dma_start3A_19 = tpu.memref_squeeze %dma_start3A_18 : memref<1x128x64xf32, #tpu.memory_space<vmem>> -> memref<128x64xf32, #tpu.memory_space<vmem>>
    %dma_start3A_20 = arith.constant 0 : i32
    %dma_start3A_21 = tpu.memref_slice %arg5[%dma_start3A_14, %dma_start3A_20] : memref<200x128xi32, #tpu.memory_space<vmem>> -> memref<1x128xi32, #tpu.memory_space<vmem>>
    %dma_start3A_22 = tpu.memref_squeeze %dma_start3A_21 : memref<1x128xi32, #tpu.memory_space<vmem>> -> memref<128xi32, #tpu.memory_space<vmem>>
    %dma_start3A_23 = arith.constant 0 : i32
    %dma_start3A_24 = arith.constant 0 : i32
    %dma_start3A_25 = tpu.memref_slice %arg3[%dma_start3A_23, %dma_start3A_24] : memref<1000000x64xf32, #tpu.memory_space<hbm>> -> memref<1000000x64xf32, #tpu.memory_space<hbm>>
    tpu.enqueue_indirect_dma source(%dma_start3A_25 : memref<1000000x64xf32, #tpu.memory_space<hbm>>) target(%dma_start3A_19 : memref<128x64xf32, #tpu.memory_space<vmem>>) offsets(%dma_start3A_22 : memref<128xi32, #tpu.memory_space<vmem>>) semaphore(%arg8 : memref<!tpu.dma_semaphore, #tpu.memory_space<semaphore_mem>>)
    %dma_start3A_26 = arith.constant 2 : i32
    %dma_start3A_27 = arith.constant 2 : i32
    %dma_start3A_28 = arith.constant 0 : i32
    %dma_start3A_29 = arith.constant 0 : i32
    %dma_start3A_30 = tpu.memref_slice %arg6[%dma_start3A_27, %dma_start3A_28, %dma_start3A_29] : memref<6x128x64xf32, #tpu.memory_space<vmem>> -> memref<1x128x64xf32, #tpu.memory_space<vmem>>
    %dma_start3A_31 = tpu.memref_squeeze %dma_start3A_30 : memref<1x128x64xf32, #tpu.memory_space<vmem>> -> memref<128x64xf32, #tpu.memory_space<vmem>>
    %dma_start3A_32 = arith.constant 0 : i32
    %dma_start3A_33 = tpu.memref_slice %arg5[%dma_start3A_26, %dma_start3A_32] : memref<200x128xi32, #tpu.memory_space<vmem>> -> memref<1x128xi32, #tpu.memory_space<vmem>>
    %dma_start3A_34 = tpu.memref_squeeze %dma_start3A_33 : memref<1x128xi32, #tpu.memory_space<vmem>> -> memref<128xi32, #tpu.memory_space<vmem>>
    %dma_start3A_35 = arith.constant 0 : i32
    %dma_start3A_36 = arith.constant 0 : i32
    %dma_start3A_37 = tpu.memref_slice %arg3[%dma_start3A_35, %dma_start3A_36] : memref<1000000x64xf32, #tpu.memory_space<hbm>> -> memref<1000000x64xf32, #tpu.memory_space<hbm>>
    tpu.enqueue_indirect_dma source(%dma_start3A_37 : memref<1000000x64xf32, #tpu.memory_space<hbm>>) target(%dma_start3A_31 : memref<128x64xf32, #tpu.memory_space<vmem>>) offsets(%dma_start3A_34 : memref<128xi32, #tpu.memory_space<vmem>>) semaphore(%arg8 : memref<!tpu.dma_semaphore, #tpu.memory_space<semaphore_mem>>)
    %dma_start3A_38 = arith.constant 3 : i32
    %dma_start3A_39 = arith.constant 3 : i32
    %dma_start3A_40 = arith.constant 0 : i32
    %dma_start3A_41 = arith.constant 0 : i32
    %dma_start3A_42 = tpu.memref_slice %arg6[%dma_start3A_39, %dma_start3A_40, %dma_start3A_41] : memref<6x128x64xf32, #tpu.memory_space<vmem>> -> memref<1x128x64xf32, #tpu.memory_space<vmem>>
    %dma_start3A_43 = tpu.memref_squeeze %dma_start3A_42 : memref<1x128x64xf32, #tpu.memory_space<vmem>> -> memref<128x64xf32, #tpu.memory_space<vmem>>
    %dma_start3A_44 = arith.constant 0 : i32
    %dma_start3A_45 = tpu.memref_slice %arg5[%dma_start3A_38, %dma_start3A_44] : memref<200x128xi32, #tpu.memory_space<vmem>> -> memref<1x128xi32, #tpu.memory_space<vmem>>
    %dma_start3A_46 = tpu.memref_squeeze %dma_start3A_45 : memref<1x128xi32, #tpu.memory_space<vmem>> -> memref<128xi32, #tpu.memory_space<vmem>>
    %dma_start3A_47 = arith.constant 0 : i32
    %dma_start3A_48 = arith.constant 0 : i32
    %dma_start3A_49 = tpu.memref_slice %arg3[%dma_start3A_47, %dma_start3A_48] : memref<1000000x64xf32, #tpu.memory_space<hbm>> -> memref<1000000x64xf32, #tpu.memory_space<hbm>>
    tpu.enqueue_indirect_dma source(%dma_start3A_49 : memref<1000000x64xf32, #tpu.memory_space<hbm>>) target(%dma_start3A_43 : memref<128x64xf32, #tpu.memory_space<vmem>>) offsets(%dma_start3A_46 : memref<128xi32, #tpu.memory_space<vmem>>) semaphore(%arg8 : memref<!tpu.dma_semaphore, #tpu.memory_space<semaphore_mem>>)
    %scan3A = arith.constant 0 : i32
    %scan3A_50 = arith.constant 0 : i32
    %scan3A_51 = arith.constant 200 : i32
    %scan3A_52 = arith.addi %scan3A_50, %scan3A_51 : i32
    %scan3A_53 = arith.constant 1 : i32
    scf.for %scan3A_120 = %scan3A_50 to %scan3A_52 step %scan3A_53  : i32 {
      %rem3A = arith.constant 6 : i32
      %rem3A_121 = arith.remsi %scan3A_120, %rem3A : i32
      %rem3A_122 = arith.constant 3 : i32
      %rem3A_123 = arith.remsi %scan3A_120, %rem3A_122 : i32
      %dma_wait3A_124 = arith.constant 0 : i32
      %dma_wait3A_125 = arith.constant 0 : i32
      %dma_wait3A_126 = tpu.memref_slice %arg6[%rem3A_121, %dma_wait3A_124, %dma_wait3A_125] : memref<6x128x64xf32, #tpu.memory_space<vmem>> -> memref<1x128x64xf32, #tpu.memory_space<vmem>>
      %dma_wait3A_127 = tpu.memref_squeeze %dma_wait3A_126 : memref<1x128x64xf32, #tpu.memory_space<vmem>> -> memref<128x64xf32, #tpu.memory_space<vmem>>
      %dma_wait3A_128 = arith.constant 0 : i32
      %dma_wait3A_129 = tpu.memref_slice %arg5[%scan3A_120, %dma_wait3A_128] : memref<200x128xi32, #tpu.memory_space<vmem>> -> memref<1x128xi32, #tpu.memory_space<vmem>>
      %dma_wait3A_130 = tpu.memref_squeeze %dma_wait3A_129 : memref<1x128xi32, #tpu.memory_space<vmem>> -> memref<128xi32, #tpu.memory_space<vmem>>
      %dma_wait3A_131 = arith.constant 0 : i32
      %dma_wait3A_132 = arith.constant 0 : i32
      %dma_wait3A_133 = tpu.memref_slice %arg3[%dma_wait3A_131, %dma_wait3A_132] : memref<1000000x64xf32, #tpu.memory_space<hbm>> -> memref<1000000x64xf32, #tpu.memory_space<hbm>>
      tpu.wait_indirect_dma semaphore(%arg8 : memref<!tpu.dma_semaphore, #tpu.memory_space<semaphore_mem>>) src(%dma_wait3A_133 : memref<1000000x64xf32, #tpu.memory_space<hbm>>) dst(%dma_wait3A_127 : memref<128x64xf32, #tpu.memory_space<vmem>>)
      %ge3A = arith.constant 3 : i32
      %ge3A_134 = arith.cmpi sge, %scan3A_120, %ge3A : i32
      %convert_element_type3A = arith.extui %ge3A_134 : i1 to i32
      %cond3A = arith.constant 0 : i32
      %cond3A_135 = arith.cmpi ne, %convert_element_type3A, %cond3A : i32
      scf.if %cond3A_135 {
        %dma_wait3A_168 = arith.constant 0 : i32
        %dma_wait3A_169 = arith.constant 0 : i32
        %dma_wait3A_170 = arith.constant 0 : i32
        %dma_wait3A_171 = tpu.memref_slice %arg7[%rem3A_123, %dma_wait3A_168, %dma_wait3A_169, %dma_wait3A_170] : memref<3x8x8x129xf32, #tpu.memory_space<vmem>> -> memref<1x8x8x128xf32, #tpu.memory_space<vmem>>
        %dma_wait3A_172 = tpu.memref_squeeze %dma_wait3A_171 : memref<1x8x8x128xf32, #tpu.memory_space<vmem>> -> memref<8x8x128xf32, #tpu.memory_space<vmem>>
        %dma_wait3A_173 = arith.constant 0 : i32
        %dma_wait3A_174 = arith.constant 0 : i32
        %dma_wait3A_175 = arith.constant 0 : i32
        %dma_wait3A_176 = tpu.memref_slice %arg4[%scan3A_120, %dma_wait3A_173, %add3A, %dma_wait3A_174, %dma_wait3A_175] : memref<200x8x32x8x128xf32, #tpu.memory_space<hbm>> -> memref<1x8x1x8x128xf32, #tpu.memory_space<hbm>>
        %dma_wait3A_177 = tpu.memref_squeeze %dma_wait3A_176 : memref<1x8x1x8x128xf32, #tpu.memory_space<hbm>> -> memref<8x8x128xf32, #tpu.memory_space<hbm>>
        %dma_wait3A_178 = arith.constant 0 : i32
        %dma_wait3A_179 = arith.constant 0 : i32
        %dma_wait3A_180 = arith.constant 0 : i32
        %dma_wait3A_181 = tpu.memref_slice %arg4[%scan3A_120, %dma_wait3A_178, %add3A, %dma_wait3A_179, %dma_wait3A_180] : memref<200x8x32x8x128xf32, #tpu.memory_space<hbm>> -> memref<1x8x1x8x128xf32, #tpu.memory_space<hbm>>
        %dma_wait3A_182 = tpu.memref_squeeze %dma_wait3A_181 : memref<1x8x1x8x128xf32, #tpu.memory_space<hbm>> -> memref<8x8x128xf32, #tpu.memory_space<hbm>>
        %dma_wait3A_183 = arith.constant 0 : i32
        %dma_wait3A_184 = arith.constant 0 : i32
        %dma_wait3A_185 = arith.constant 0 : i32
        %dma_wait3A_186 = tpu.memref_slice %arg7[%rem3A_123, %dma_wait3A_183, %dma_wait3A_184, %dma_wait3A_185] : memref<3x8x8x129xf32, #tpu.memory_space<vmem>> -> memref<1x8x8x128xf32, #tpu.memory_space<vmem>>
        %dma_wait3A_187 = tpu.memref_squeeze %dma_wait3A_186 : memref<1x8x8x128xf32, #tpu.memory_space<vmem>> -> memref<8x8x128xf32, #tpu.memory_space<vmem>>
        tpu.wait_dma2 semaphore(%arg9 : memref<!tpu.dma_semaphore, #tpu.memory_space<semaphore_mem>>) src(%dma_wait3A_187 : memref<8x8x128xf32, #tpu.memory_space<vmem>>) dst(%dma_wait3A_182 : memref<8x8x128xf32, #tpu.memory_space<hbm>>)
      } else {
      }
      %iota3A = tpu.iota {dimensions = array<i32: 0>} : vector<16xi32>
      %shift_right_logical3A = arith.constant 3 : i32
      %shift_right_logical3A_136 = vector.broadcast %shift_right_logical3A : i32 to vector<16xi32>
      %shift_right_logical3A_137 = arith.shrui %iota3A, %shift_right_logical3A_136 : vector<16xi32>
      %and3A = arith.constant 7 : i32
      %and3A_138 = vector.broadcast %and3A : i32 to vector<16xi32>
      %and3A_139 = arith.andi %iota3A, %and3A_138 : vector<16xi32>
      %parallel_loop3A = arith.constant 0 : i32
      %parallel_loop3A_140 = arith.constant 128 : i32
      %parallel_loop3A_141 = arith.constant 1 : i32
      scf.for %parallel_loop3A_168 = %parallel_loop3A to %parallel_loop3A_140 step %parallel_loop3A_141  : i32 {
        %parallel_loop3A_169 = arith.constant 0 : i32
        %parallel_loop3A_170 = vector.broadcast %parallel_loop3A_169 : i32 to vector<16xi32>
        %parallel_loop3A_171 = vector.broadcast %parallel_loop3A_168 : i32 to vector<16xi32>
        %parallel_loop3A_172 = arith.addi %parallel_loop3A_170, %parallel_loop3A_171 : vector<16xi32>
        %parallel_loop3A_173 = arith.index_cast %rem3A_121 : i32 to index
        %parallel_loop3A_174 = arith.index_cast %parallel_loop3A_168 : i32 to index
        %parallel_loop3A_175 = arith.constant 0 : index
        %parallel_loop3A_176 = tpu.vector_load %arg6[%parallel_loop3A_173, %parallel_loop3A_174, %parallel_loop3A_175] {strides = array<i32>} : memref<6x128x64xf32, #tpu.memory_space<vmem>>, vector<16xf32>,
        %parallel_loop3A_177 = arith.constant 0 : i32
        %parallel_loop3A_178 = vector.broadcast %parallel_loop3A_177 : i32 to vector<16xi32>
        %parallel_loop3A_179 = arith.addi %shift_right_logical3A_137, %parallel_loop3A_178 : vector<16xi32>
        %parallel_loop3A_180 = arith.constant 8.000000e+00 : f32
        %parallel_loop3A_181 = vector.broadcast %parallel_loop3A_180 : f32 to vector<16xf32>
        %parallel_loop3A_182 = arith.mulf %parallel_loop3A_176, %parallel_loop3A_181 : vector<16xf32>
        %parallel_loop3A_183 = arith.constant 0 : i32
        %parallel_loop3A_184 = arith.constant 0 : i32
        %parallel_loop3A_185 = arith.constant 0 : i32
        %parallel_loop3A_186 = tpu.memref_slice %arg7[%rem3A_123, %parallel_loop3A_183, %parallel_loop3A_184, %parallel_loop3A_185] : memref<3x8x8x129xf32, #tpu.memory_space<vmem>> -> memref<1x8x8x129xf32, #tpu.memory_space<vmem>>
        %parallel_loop3A_187 = tpu.memref_squeeze %parallel_loop3A_186 : memref<1x8x8x129xf32, #tpu.memory_space<vmem>> -> memref<8x8x129xf32, #tpu.memory_space<vmem>>
        tpu.vector_store_idx %parallel_loop3A_187[%parallel_loop3A_179, %and3A_139, %parallel_loop3A_172], %parallel_loop3A_182 : memref<8x8x129xf32, #tpu.memory_space<vmem>>[vector<16xi32>, vector<16xi32>, vector<16xi32>], vector<16xf32>,
        %parallel_loop3A_188 = arith.index_cast %rem3A_121 : i32 to index
        %parallel_loop3A_189 = arith.index_cast %parallel_loop3A_168 : i32 to index
        %parallel_loop3A_190 = arith.constant 16 : index
        %parallel_loop3A_191 = tpu.vector_load %arg6[%parallel_loop3A_188, %parallel_loop3A_189, %parallel_loop3A_190] {strides = array<i32>} : memref<6x128x64xf32, #tpu.memory_space<vmem>>, vector<16xf32>,
        %parallel_loop3A_192 = arith.constant 2 : i32
        %parallel_loop3A_193 = vector.broadcast %parallel_loop3A_192 : i32 to vector<16xi32>
        %parallel_loop3A_194 = arith.addi %shift_right_logical3A_137, %parallel_loop3A_193 : vector<16xi32>
        %parallel_loop3A_195 = arith.constant 8.000000e+00 : f32
        %parallel_loop3A_196 = vector.broadcast %parallel_loop3A_195 : f32 to vector<16xf32>
        %parallel_loop3A_197 = arith.mulf %parallel_loop3A_191, %parallel_loop3A_196 : vector<16xf32>
        %parallel_loop3A_198 = arith.constant 0 : i32
        %parallel_loop3A_199 = arith.constant 0 : i32
        %parallel_loop3A_200 = arith.constant 0 : i32
        %parallel_loop3A_201 = tpu.memref_slice %arg7[%rem3A_123, %parallel_loop3A_198, %parallel_loop3A_199, %parallel_loop3A_200] : memref<3x8x8x129xf32, #tpu.memory_space<vmem>> -> memref<1x8x8x129xf32, #tpu.memory_space<vmem>>
        %parallel_loop3A_202 = tpu.memref_squeeze %parallel_loop3A_201 : memref<1x8x8x129xf32, #tpu.memory_space<vmem>> -> memref<8x8x129xf32, #tpu.memory_space<vmem>>
        tpu.vector_store_idx %parallel_loop3A_202[%parallel_loop3A_194, %and3A_139, %parallel_loop3A_172], %parallel_loop3A_197 : memref<8x8x129xf32, #tpu.memory_space<vmem>>[vector<16xi32>, vector<16xi32>, vector<16xi32>], vector<16xf32>,
        %parallel_loop3A_203 = arith.index_cast %rem3A_121 : i32 to index
        %parallel_loop3A_204 = arith.index_cast %parallel_loop3A_168 : i32 to index
        %parallel_loop3A_205 = arith.constant 32 : index
        %parallel_loop3A_206 = tpu.vector_load %arg6[%parallel_loop3A_203, %parallel_loop3A_204, %parallel_loop3A_205] {strides = array<i32>} : memref<6x128x64xf32, #tpu.memory_space<vmem>>, vector<16xf32>,
        %parallel_loop3A_207 = arith.constant 4 : i32
        %parallel_loop3A_208 = vector.broadcast %parallel_loop3A_207 : i32 to vector<16xi32>
        %parallel_loop3A_209 = arith.addi %shift_right_logical3A_137, %parallel_loop3A_208 : vector<16xi32>
        %parallel_loop3A_210 = arith.constant 8.000000e+00 : f32
        %parallel_loop3A_211 = vector.broadcast %parallel_loop3A_210 : f32 to vector<16xf32>
        %parallel_loop3A_212 = arith.mulf %parallel_loop3A_206, %parallel_loop3A_211 : vector<16xf32>
        %parallel_loop3A_213 = arith.constant 0 : i32
        %parallel_loop3A_214 = arith.constant 0 : i32
        %parallel_loop3A_215 = arith.constant 0 : i32
        %parallel_loop3A_216 = tpu.memref_slice %arg7[%rem3A_123, %parallel_loop3A_213, %parallel_loop3A_214, %parallel_loop3A_215] : memref<3x8x8x129xf32, #tpu.memory_space<vmem>> -> memref<1x8x8x129xf32, #tpu.memory_space<vmem>>
        %parallel_loop3A_217 = tpu.memref_squeeze %parallel_loop3A_216 : memref<1x8x8x129xf32, #tpu.memory_space<vmem>> -> memref<8x8x129xf32, #tpu.memory_space<vmem>>
        tpu.vector_store_idx %parallel_loop3A_217[%parallel_loop3A_209, %and3A_139, %parallel_loop3A_172], %parallel_loop3A_212 : memref<8x8x129xf32, #tpu.memory_space<vmem>>[vector<16xi32>, vector<16xi32>, vector<16xi32>], vector<16xf32>,
        %parallel_loop3A_218 = arith.index_cast %rem3A_121 : i32 to index
        %parallel_loop3A_219 = arith.index_cast %parallel_loop3A_168 : i32 to index
        %parallel_loop3A_220 = arith.constant 48 : index
        %parallel_loop3A_221 = tpu.vector_load %arg6[%parallel_loop3A_218, %parallel_loop3A_219, %parallel_loop3A_220] {strides = array<i32>} : memref<6x128x64xf32, #tpu.memory_space<vmem>>, vector<16xf32>,
        %parallel_loop3A_222 = arith.constant 6 : i32
        %parallel_loop3A_223 = vector.broadcast %parallel_loop3A_222 : i32 to vector<16xi32>
        %parallel_loop3A_224 = arith.addi %shift_right_logical3A_137, %parallel_loop3A_223 : vector<16xi32>
        %parallel_loop3A_225 = arith.constant 8.000000e+00 : f32
        %parallel_loop3A_226 = vector.broadcast %parallel_loop3A_225 : f32 to vector<16xf32>
        %parallel_loop3A_227 = arith.mulf %parallel_loop3A_221, %parallel_loop3A_226 : vector<16xf32>
        %parallel_loop3A_228 = arith.constant 0 : i32
        %parallel_loop3A_229 = arith.constant 0 : i32
        %parallel_loop3A_230 = arith.constant 0 : i32
        %parallel_loop3A_231 = tpu.memref_slice %arg7[%rem3A_123, %parallel_loop3A_228, %parallel_loop3A_229, %parallel_loop3A_230] : memref<3x8x8x129xf32, #tpu.memory_space<vmem>> -> memref<1x8x8x129xf32, #tpu.memory_space<vmem>>
        %parallel_loop3A_232 = tpu.memref_squeeze %parallel_loop3A_231 : memref<1x8x8x129xf32, #tpu.memory_space<vmem>> -> memref<8x8x129xf32, #tpu.memory_space<vmem>>
        tpu.vector_store_idx %parallel_loop3A_232[%parallel_loop3A_224, %and3A_139, %parallel_loop3A_172], %parallel_loop3A_227 : memref<8x8x129xf32, #tpu.memory_space<vmem>>[vector<16xi32>, vector<16xi32>, vector<16xi32>], vector<16xf32>,
      } {sc.loop_unroll_factor = 8 : i64, sc.parallel_access}
      %dma_start3A_142 = arith.constant 0 : i32
      %dma_start3A_143 = arith.constant 0 : i32
      %dma_start3A_144 = arith.constant 0 : i32
      %dma_start3A_145 = tpu.memref_slice %arg7[%rem3A_123, %dma_start3A_142, %dma_start3A_143, %dma_start3A_144] : memref<3x8x8x129xf32, #tpu.memory_space<vmem>> -> memref<1x8x8x128xf32, #tpu.memory_space<vmem>>
      %dma_start3A_146 = tpu.memref_squeeze %dma_start3A_145 : memref<1x8x8x128xf32, #tpu.memory_space<vmem>> -> memref<8x8x128xf32, #tpu.memory_space<vmem>>
      %dma_start3A_147 = arith.constant 0 : i32
      %dma_start3A_148 = arith.constant 0 : i32
      %dma_start3A_149 = arith.constant 0 : i32
      %dma_start3A_150 = tpu.memref_slice %arg4[%scan3A_120, %dma_start3A_147, %add3A, %dma_start3A_148, %dma_start3A_149] : memref<200x8x32x8x128xf32, #tpu.memory_space<hbm>> -> memref<1x8x1x8x128xf32, #tpu.memory_space<hbm>>
      %dma_start3A_151 = tpu.memref_squeeze %dma_start3A_150 : memref<1x8x1x8x128xf32, #tpu.memory_space<hbm>> -> memref<8x8x128xf32, #tpu.memory_space<hbm>>
      %dma_start3A_152 = arith.constant 0 : i32
      %dma_start3A_153 = arith.constant 0 : i32
      %dma_start3A_154 = arith.constant 0 : i32
      %dma_start3A_155 = tpu.memref_slice %arg4[%scan3A_120, %dma_start3A_152, %add3A, %dma_start3A_153, %dma_start3A_154] : memref<200x8x32x8x128xf32, #tpu.memory_space<hbm>> -> memref<1x8x1x8x128xf32, #tpu.memory_space<hbm>>
      %dma_start3A_156 = tpu.memref_squeeze %dma_start3A_155 : memref<1x8x1x8x128xf32, #tpu.memory_space<hbm>> -> memref<8x8x128xf32, #tpu.memory_space<hbm>>
      %dma_start3A_157 = arith.constant 0 : i32
      %dma_start3A_158 = arith.constant 0 : i32
      %dma_start3A_159 = arith.constant 0 : i32
      %dma_start3A_160 = tpu.memref_slice %arg7[%rem3A_123, %dma_start3A_157, %dma_start3A_158, %dma_start3A_159] : memref<3x8x8x129xf32, #tpu.memory_space<vmem>> -> memref<1x8x8x128xf32, #tpu.memory_space<vmem>>
      %dma_start3A_161 = tpu.memref_squeeze %dma_start3A_160 : memref<1x8x8x128xf32, #tpu.memory_space<vmem>> -> memref<8x8x128xf32, #tpu.memory_space<vmem>>
      tpu.enqueue_dma source(%dma_start3A_161 : memref<8x8x128xf32, #tpu.memory_space<vmem>>) target(%dma_start3A_156 : memref<8x8x128xf32, #tpu.memory_space<hbm>>) target_semaphore(%arg9 : memref<!tpu.dma_semaphore, #tpu.memory_space<semaphore_mem>>)
      %add3A_162 = arith.constant 4 : i32
      %add3A_163 = arith.addi %scan3A_120, %add3A_162 : i32
      %lt3A = arith.constant 200 : i32
      %lt3A_164 = arith.cmpi slt, %add3A_163, %lt3A : i32
      %convert_element_type3A_165 = arith.extui %lt3A_164 : i1 to i32
      %cond3A_166 = arith.constant 0 : i32
      %cond3A_167 = arith.cmpi ne, %convert_element_type3A_165, %cond3A_166 : i32
      scf.if %cond3A_167 {
        %add3A_168 = arith.constant 4 : i32
        %add3A_169 = arith.addi %scan3A_120, %add3A_168 : i32
        %add3A_170 = arith.constant 4 : i32
        %add3A_171 = arith.addi %scan3A_120, %add3A_170 : i32
        %rem3A_172 = arith.constant 6 : i32
        %rem3A_173 = arith.remsi %add3A_171, %rem3A_172 : i32
        %dma_start3A_174 = arith.constant 0 : i32
        %dma_start3A_175 = arith.constant 0 : i32
        %dma_start3A_176 = tpu.memref_slice %arg6[%rem3A_173, %dma_start3A_174, %dma_start3A_175] : memref<6x128x64xf32, #tpu.memory_space<vmem>> -> memref<1x128x64xf32, #tpu.memory_space<vmem>>
        %dma_start3A_177 = tpu.memref_squeeze %dma_start3A_176 : memref<1x128x64xf32, #tpu.memory_space<vmem>> -> memref<128x64xf32, #tpu.memory_space<vmem>>
        %dma_start3A_178 = arith.constant 0 : i32
        %dma_start3A_179 = tpu.memref_slice %arg5[%add3A_169, %dma_start3A_178] : memref<200x128xi32, #tpu.memory_space<vmem>> -> memref<1x128xi32, #tpu.memory_space<vmem>>
        %dma_start3A_180 = tpu.memref_squeeze %dma_start3A_179 : memref<1x128xi32, #tpu.memory_space<vmem>> -> memref<128xi32, #tpu.memory_space<vmem>>
        %dma_start3A_181 = arith.constant 0 : i32
        %dma_start3A_182 = arith.constant 0 : i32
        %dma_start3A_183 = tpu.memref_slice %arg3[%dma_start3A_181, %dma_start3A_182] : memref<1000000x64xf32, #tpu.memory_space<hbm>> -> memref<1000000x64xf32, #tpu.memory_space<hbm>>
        tpu.enqueue_indirect_dma source(%dma_start3A_183 : memref<1000000x64xf32, #tpu.memory_space<hbm>>) target(%dma_start3A_177 : memref<128x64xf32, #tpu.memory_space<vmem>>) offsets(%dma_start3A_180 : memref<128xi32, #tpu.memory_space<vmem>>) semaphore(%arg8 : memref<!tpu.dma_semaphore, #tpu.memory_space<semaphore_mem>>)
      } else {
      }
    }
    %scan3A_54 = arith.constant 200 : i32
    %dma_wait3A = arith.constant 0 : i32
    %dma_wait3A_55 = arith.constant 0 : i32
    %dma_wait3A_56 = arith.constant 0 : i32
    %dma_wait3A_57 = arith.constant 0 : i32
    %dma_wait3A_58 = arith.constant 0 : i32
    %dma_wait3A_59 = tpu.memref_slice %arg7[%dma_wait3A, %dma_wait3A_56, %dma_wait3A_57, %dma_wait3A_58] : memref<3x8x8x129xf32, #tpu.memory_space<vmem>> -> memref<1x8x8x128xf32, #tpu.memory_space<vmem>>
    %dma_wait3A_60 = tpu.memref_squeeze %dma_wait3A_59 : memref<1x8x8x128xf32, #tpu.memory_space<vmem>> -> memref<8x8x128xf32, #tpu.memory_space<vmem>>
    %dma_wait3A_61 = arith.constant 0 : i32
    %dma_wait3A_62 = arith.constant 0 : i32
    %dma_wait3A_63 = arith.constant 0 : i32
    %dma_wait3A_64 = tpu.memref_slice %arg4[%dma_wait3A_55, %dma_wait3A_61, %add3A, %dma_wait3A_62, %dma_wait3A_63] : memref<200x8x32x8x128xf32, #tpu.memory_space<hbm>> -> memref<1x8x1x8x128xf32, #tpu.memory_space<hbm>>
    %dma_wait3A_65 = tpu.memref_squeeze %dma_wait3A_64 : memref<1x8x1x8x128xf32, #tpu.memory_space<hbm>> -> memref<8x8x128xf32, #tpu.memory_space<hbm>>
    %dma_wait3A_66 = arith.constant 0 : i32
    %dma_wait3A_67 = arith.constant 0 : i32
    %dma_wait3A_68 = arith.constant 0 : i32
    %dma_wait3A_69 = tpu.memref_slice %arg4[%dma_wait3A_55, %dma_wait3A_66, %add3A, %dma_wait3A_67, %dma_wait3A_68] : memref<200x8x32x8x128xf32, #tpu.memory_space<hbm>> -> memref<1x8x1x8x128xf32, #tpu.memory_space<hbm>>
    %dma_wait3A_70 = tpu.memref_squeeze %dma_wait3A_69 : memref<1x8x1x8x128xf32, #tpu.memory_space<hbm>> -> memref<8x8x128xf32, #tpu.memory_space<hbm>>
    %dma_wait3A_71 = arith.constant 0 : i32
    %dma_wait3A_72 = arith.constant 0 : i32
    %dma_wait3A_73 = arith.constant 0 : i32
    %dma_wait3A_74 = tpu.memref_slice %arg7[%dma_wait3A, %dma_wait3A_71, %dma_wait3A_72, %dma_wait3A_73] : memref<3x8x8x129xf32, #tpu.memory_space<vmem>> -> memref<1x8x8x128xf32, #tpu.memory_space<vmem>>
    %dma_wait3A_75 = tpu.memref_squeeze %dma_wait3A_74 : memref<1x8x8x128xf32, #tpu.memory_space<vmem>> -> memref<8x8x128xf32, #tpu.memory_space<vmem>>
    tpu.wait_dma2 semaphore(%arg9 : memref<!tpu.dma_semaphore, #tpu.memory_space<semaphore_mem>>) src(%dma_wait3A_75 : memref<8x8x128xf32, #tpu.memory_space<vmem>>) dst(%dma_wait3A_70 : memref<8x8x128xf32, #tpu.memory_space<hbm>>)
    %dma_wait3A_76 = arith.constant 0 : i32
    %dma_wait3A_77 = arith.constant 0 : i32
    %dma_wait3A_78 = arith.constant 0 : i32
    %dma_wait3A_79 = arith.constant 0 : i32
    %dma_wait3A_80 = arith.constant 0 : i32
    %dma_wait3A_81 = tpu.memref_slice %arg7[%dma_wait3A_76, %dma_wait3A_78, %dma_wait3A_79, %dma_wait3A_80] : memref<3x8x8x129xf32, #tpu.memory_space<vmem>> -> memref<1x8x8x128xf32, #tpu.memory_space<vmem>>
    %dma_wait3A_82 = tpu.memref_squeeze %dma_wait3A_81 : memref<1x8x8x128xf32, #tpu.memory_space<vmem>> -> memref<8x8x128xf32, #tpu.memory_space<vmem>>
    %dma_wait3A_83 = arith.constant 0 : i32
    %dma_wait3A_84 = arith.constant 0 : i32
    %dma_wait3A_85 = arith.constant 0 : i32
    %dma_wait3A_86 = tpu.memref_slice %arg4[%dma_wait3A_77, %dma_wait3A_83, %add3A, %dma_wait3A_84, %dma_wait3A_85] : memref<200x8x32x8x128xf32, #tpu.memory_space<hbm>> -> memref<1x8x1x8x128xf32, #tpu.memory_space<hbm>>
    %dma_wait3A_87 = tpu.memref_squeeze %dma_wait3A_86 : memref<1x8x1x8x128xf32, #tpu.memory_space<hbm>> -> memref<8x8x128xf32, #tpu.memory_space<hbm>>
    %dma_wait3A_88 = arith.constant 0 : i32
    %dma_wait3A_89 = arith.constant 0 : i32
    %dma_wait3A_90 = arith.constant 0 : i32
    %dma_wait3A_91 = tpu.memref_slice %arg4[%dma_wait3A_77, %dma_wait3A_88, %add3A, %dma_wait3A_89, %dma_wait3A_90] : memref<200x8x32x8x128xf32, #tpu.memory_space<hbm>> -> memref<1x8x1x8x128xf32, #tpu.memory_space<hbm>>
    %dma_wait3A_92 = tpu.memref_squeeze %dma_wait3A_91 : memref<1x8x1x8x128xf32, #tpu.memory_space<hbm>> -> memref<8x8x128xf32, #tpu.memory_space<hbm>>
    %dma_wait3A_93 = arith.constant 0 : i32
    %dma_wait3A_94 = arith.constant 0 : i32
    %dma_wait3A_95 = arith.constant 0 : i32
    %dma_wait3A_96 = tpu.memref_slice %arg7[%dma_wait3A_76, %dma_wait3A_93, %dma_wait3A_94, %dma_wait3A_95] : memref<3x8x8x129xf32, #tpu.memory_space<vmem>> -> memref<1x8x8x128xf32, #tpu.memory_space<vmem>>
    %dma_wait3A_97 = tpu.memref_squeeze %dma_wait3A_96 : memref<1x8x8x128xf32, #tpu.memory_space<vmem>> -> memref<8x8x128xf32, #tpu.memory_space<vmem>>
    tpu.wait_dma2 semaphore(%arg9 : memref<!tpu.dma_semaphore, #tpu.memory_space<semaphore_mem>>) src(%dma_wait3A_97 : memref<8x8x128xf32, #tpu.memory_space<vmem>>) dst(%dma_wait3A_92 : memref<8x8x128xf32, #tpu.memory_space<hbm>>)
    %dma_wait3A_98 = arith.constant 0 : i32
    %dma_wait3A_99 = arith.constant 0 : i32
    %dma_wait3A_100 = arith.constant 0 : i32
    %dma_wait3A_101 = arith.constant 0 : i32
    %dma_wait3A_102 = arith.constant 0 : i32
    %dma_wait3A_103 = tpu.memref_slice %arg7[%dma_wait3A_98, %dma_wait3A_100, %dma_wait3A_101, %dma_wait3A_102] : memref<3x8x8x129xf32, #tpu.memory_space<vmem>> -> memref<1x8x8x128xf32, #tpu.memory_space<vmem>>
    %dma_wait3A_104 = tpu.memref_squeeze %dma_wait3A_103 : memref<1x8x8x128xf32, #tpu.memory_space<vmem>> -> memref<8x8x128xf32, #tpu.memory_space<vmem>>
    %dma_wait3A_105 = arith.constant 0 : i32
    %dma_wait3A_106 = arith.constant 0 : i32
    %dma_wait3A_107 = arith.constant 0 : i32
    %dma_wait3A_108 = tpu.memref_slice %arg4[%dma_wait3A_99, %dma_wait3A_105, %add3A, %dma_wait3A_106, %dma_wait3A_107] : memref<200x8x32x8x128xf32, #tpu.memory_space<hbm>> -> memref<1x8x1x8x128xf32, #tpu.memory_space<hbm>>
    %dma_wait3A_109 = tpu.memref_squeeze %dma_wait3A_108 : memref<1x8x1x8x128xf32, #tpu.memory_space<hbm>> -> memref<8x8x128xf32, #tpu.memory_space<hbm>>
    %dma_wait3A_110 = arith.constant 0 : i32
    %dma_wait3A_111 = arith.constant 0 : i32
    %dma_wait3A_112 = arith.constant 0 : i32
    %dma_wait3A_113 = tpu.memref_slice %arg4[%dma_wait3A_99, %dma_wait3A_110, %add3A, %dma_wait3A_111, %dma_wait3A_112] : memref<200x8x32x8x128xf32, #tpu.memory_space<hbm>> -> memref<1x8x1x8x128xf32, #tpu.memory_space<hbm>>
    %dma_wait3A_114 = tpu.memref_squeeze %dma_wait3A_113 : memref<1x8x1x8x128xf32, #tpu.memory_space<hbm>> -> memref<8x8x128xf32, #tpu.memory_space<hbm>>
    %dma_wait3A_115 = arith.constant 0 : i32
    %dma_wait3A_116 = arith.constant 0 : i32
    %dma_wait3A_117 = arith.constant 0 : i32
    %dma_wait3A_118 = tpu.memref_slice %arg7[%dma_wait3A_98, %dma_wait3A_115, %dma_wait3A_116, %dma_wait3A_117] : memref<3x8x8x129xf32, #tpu.memory_space<vmem>> -> memref<1x8x8x128xf32, #tpu.memory_space<vmem>>
    %dma_wait3A_119 = tpu.memref_squeeze %dma_wait3A_118 : memref<1x8x8x128xf32, #tpu.memory_space<vmem>> -> memref<8x8x128xf32, #tpu.memory_space<vmem>>
    tpu.wait_dma2 semaphore(%arg9 : memref<!tpu.dma_semaphore, #tpu.memory_space<semaphore_mem>>) src(%dma_wait3A_119 : memref<8x8x128xf32, #tpu.memory_space<vmem>>) dst(%dma_wait3A_114 : memref<8x8x128xf32, #tpu.memory_space<hbm>>)
    return
  }
}

</mosaic_0001>

<sc_bundles>
// kernel: kernel.3.cloned.1.call-start
scs
__scs_entry_jumppad:
0x0: {  	(pc) =	sbr.rel $0x88, $3  }
0x1: {  	(tag) =	ssettag $0x0;
	lr =	simm.s32 $0x1  }
0x2: {  	[smem:$0x3F9F] =	sst lr;
	_ =	strace $0xD0000000  }
0x3: {  	_ = 	snop  }
0x4: {  	_ = 	snop  }
0x5: {  	_ = 	snop  }
0x6: {  	_ = 	snop  }
0x7: {  	_ = 	snop  }
__scs_overlays_trampoline_lowered:
0x8: {  	[smem:$0x3FAE] =	sst s0  }
0x9: {  	[smem:$0x3FAF] =	sst s1  }
0xa: {  	[smem:$0x3FB0] =	sst s2  }
0xb: {  	[smem:$0x3FB1] =	sst s3  }
0xc: {  	[smem:$0x3FB2] =	sst s4  }
0xd: {  	[smem:$0x3FB3] =	sst s5  }
0xe: {  	[smem:$0x3FB4] =	sst s6  }
0xf: {  	[smem:$0x3FB5] =	sst s7  }
0x10: {  	[smem:$0x3FB6] =	sst s8  }
0x11: {  	[smem:$0x3FB7] =	sst s9;
	s0 =	simm.s32 @!p0 $0x0  }
0x12: {  	s1 =	sld [smem:$0x3F9D];
	s0 =	simm.s32 @p0 $0x1  }
0x13: {  	[smem:$0x3FB8] =	sst s0;
	s0 =	simm.s32 @!p1 $0x0  }
0x14: {  	s2 =	sld [smem:$0x3F9C];
	s0 =	simm.s32 @p1 $0x1  }
0x15: {  	[smem:$0x3FB9] =	sst s0;
	s0 =	simm.s32 @!p2 $0x0  }
0x16: {  	s3 =	sld [smem:$0x3FDB];
	s0 =	simm.s32 @p2 $0x1  }
0x17: {  	s4 =	simm.s32 $0x1BF5;
	[smem:$0x3FBB] =	sst s0  }
0x18: {  	s0 =	sld [smem:$0x3F9E];
	_ =	swait.ge [sflag:s4], $0x0  }
0x19: {  	s7 =	sld [smem:$0x3F9F]  }
0x1a: {  	s8 =	sadd.s32 $0xFFFFE003, lr  }
0x1b: {  	s9 =	sadd.s32 $0xFFFFFEF7, lr;
	s5 =	simm.s32 $0xFFFFFFFF;
	p2 =	slt.u32 s8, $0xFFFFF086  }
0x1c: {  	p1 =	slt.u32 s9, $0xF7A;
	s5 =	simm.s32 @!p2 $0x0  }
0x1d: {  	s5 =	simm.s32 @p1 $0x1;
	p0 =	seq.s32 s7, s2  }
0x1e: {  	s7 =	smul.u32 @!p0 $0xF7A, s2;
	p2 =	seq.s32 @!p0 s5, $0x0  }
0x1f: {  	s9 =	smul.u32 $0xF7A, s1;
	s8 =	simm.s32 @!p0 $0x1BF5;
	p2 =	por !p2, p0  }
0x20: {  	[sflag:s8] =	ssyncset.s32 @!p0 $0xFFFFF086;
	s6 =	sadd.s32 @!p0 s3, s7;
	s7 =	simm.s32 @!p0 $0x108  }
0x21: {  	s3 =	sadd.s32 s3, s9;
	s6 =	sadd.s32 @!p0 $0x88, s6;
	s7 =	simm.s32 @p2 $0x1082  }
0x22: {  	[simem:s7], [sflag:s8] =	dma.local @!p0 [hbm:s6], $0xF7A  }
0x23: {  	s9 =	sor.u32 $0xD0000000, s2;
	s6 =	simm.s32 $0x108;
	_ =	swait.ge @!p0 [sflag:s8], $0x0  }
0x24: {  	s3 =	sadd.s32 $0x88, s3;
	s6 =	simm.s32 @!p1 $0x1082;
	[sflag:s4] =	ssyncset.s32 $0xFFFFF086  }
0x25: {  	[simem:s6], [sflag:s4] =	dma.local [hbm:s3], $0xF7A  }
0x26: {  	[smem:$0x3F9F] =	sst s1;
	(tag) =	ssettag s2;
	_ =	strace s9  }
0x27: {  	s1 =	sld [smem:$0x3FAF]  }
0x28: {  	s2 =	sld [smem:$0x3FB0]  }
0x29: {  	s4 =	sld [smem:$0x3FB2]  }
0x2a: {  	p0 =	seq.s32 s5, $0x0;
	s5 =	sld [smem:$0x3FB3]  }
0x2b: {  	s6 =	sld [smem:$0x3FB4]  }
0x2c: {  	s7 =	sld [smem:$0x3FB5]  }
0x2d: {  	s3 =	simm.s32 $0x108;
	s8 =	sld [smem:$0x3FB6]  }
0x2e: {  	s3 =	simm.s32 @!p0 $0x1082;
	s9 =	sld [smem:$0x3FB7]  }
0x2f: {  	lr =	sadd.s32 s0, s3;
	s0 =	sld [smem:$0x3FAE]  }
0x30: {  	s3 =	sld [smem:$0x3FB1]  }
0x31: {  	[smem:$0x3FBA] =	sst s10  }
0x32: {  	s10 =	sld [smem:$0x3FB8];
	_ =	sdelay $0x3  }
0x33: {  	p0 =	seq.s32 s10, $0x1;
	s10 =	sld [smem:$0x3FBA];
	_ =	sdelay $0x3  }
0x34: {  	[smem:$0x3FBA] =	sst s10  }
0x35: {  	s10 =	sld [smem:$0x3FB9];
	_ =	sdelay $0x3  }
0x36: {  	p1 =	seq.s32 s10, $0x1;
	s10 =	sld [smem:$0x3FBA];
	_ =	sdelay $0x3  }
0x37: {  	[smem:$0x3FBA] =	sst s10  }
0x38: {  	s10 =	sld [smem:$0x3FBB]  }
0x39: {  	_ = 	snop;
	(pc) =	sbr.ind lr, $3  }
0x3a: {  	_ = 	snop  }
0x3b: {  	_ = 	snop  }
0x3c: {  	p2 =	seq.s32 s10, $0x1;
	s10 =	sld [smem:$0x3FBA]  }
0x3d: {  	_ =	shalt  }
0x3e: {  	_ =	shalt  }
0x3f: {  	_ =	shalt  }
0x40: {  	_ =	shalt  }
0x41: {  	_ =	shalt  }
0x42: {  	_ =	shalt  }
0x43: {  	_ =	shalt  }
0x44: {  	_ =	shalt  }
0x45: {  	_ =	shalt  }
0x46: {  	_ =	shalt  }
0x47: {  	_ =	shalt  }
0x48: {  	_ =	shalt  }
0x49: {  	_ =	shalt  }
0x4a: {  	_ =	shalt  }
0x4b: {  	_ =	shalt  }
0x4c: {  	_ =	shalt  }
0x4d: {  	_ =	shalt  }
0x4e: {  	_ =	shalt  }
0x4f: {  	_ =	shalt  }
0x50: {  	_ =	shalt  }
0x51: {  	_ =	shalt  }
0x52: {  	_ =	shalt  }
0x53: {  	_ =	shalt  }
0x54: {  	_ =	shalt  }
0x55: {  	_ =	shalt  }
0x56: {  	_ =	shalt  }
0x57: {  	_ =	shalt  }
0x58: {  	_ =	shalt  }
0x59: {  	_ =	shalt  }
0x5a: {  	_ =	shalt  }
0x5b: {  	_ =	shalt  }
0x5c: {  	_ =	shalt  }
0x5d: {  	_ =	shalt  }
0x5e: {  	_ =	shalt  }
0x5f: {  	_ =	shalt  }
0x60: {  	_ =	shalt  }
0x61: {  	_ =	shalt  }
0x62: {  	_ =	shalt  }
0x63: {  	_ =	shalt  }
0x64: {  	_ =	shalt  }
0x65: {  	_ =	shalt  }
0x66: {  	_ =	shalt  }
0x67: {  	_ =	shalt  }
0x68: {  	_ =	shalt  }
0x69: {  	_ =	shalt  }
0x6a: {  	_ =	shalt  }
0x6b: {  	_ =	shalt  }
0x6c: {  	_ =	shalt  }
0x6d: {  	_ =	shalt  }
0x6e: {  	_ =	shalt  }
0x6f: {  	_ =	shalt  }
0x70: {  	_ =	shalt  }
0x71: {  	_ =	shalt  }
0x72: {  	_ =	shalt  }
0x73: {  	_ =	shalt  }
0x74: {  	_ =	shalt  }
0x75: {  	_ =	shalt  }
0x76: {  	_ =	shalt  }
0x77: {  	_ =	shalt  }
0x78: {  	_ =	shalt  }
0x79: {  	_ =	shalt  }
0x7a: {  	_ =	shalt  }
0x7b: {  	_ =	shalt  }
0x7c: {  	_ =	shalt  }
0x7d: {  	_ =	shalt  }
0x7e: {  	_ =	shalt  }
0x7f: {  	_ =	shalt  }
0x80: {  	_ =	shalt  }
0x81: {  	_ =	shalt  }
0x82: {  	_ =	shalt  }
0x83: {  	_ =	shalt  }
0x84: {  	_ =	shalt  }
0x85: {  	_ =	shalt  }
0x86: {  	_ =	shalt  }
0x87: {  	_ =	shalt  }
.Lfunc_end0:
.L_simem_size_0:
called_computation_lowered:
.L_overlay_start_0:
0x88: {  	s2 =	sld [smem:$0x3FD9]  }
0x89: {  	s3 =	sld [smem:$0x3FFE];
	_ =	sdelay $0x1  }
0x8a: {  	s1 =	srdreg.scid  }
0x8b: {  	s0 =	sand.u32 $0x1, s1  }
0x8c: {  	s17 =	sshll.u32 s0, $0xA;
	s2 =	sadd.s32 s3, s2  }
0x8d: {  	s2 =	sadd.s32 s2, s17  }
0x8e: {  	[smem:$0x3FC6] =	sst s2  }
0x8f: {  	_ = 	snop  }
0x90: {  	s2 =	sld [smem:$0x3FD0];
	(tm) =	ssettm $0x1  }
0x91: {  	s18 =	sld [smem:$0x3FFB];
	_ =	sdelay $0x3  }
0x92: {  	_ =	strace s18  }
0x93: {  	s3 =	sld [smem:$0x3FFC];
	_ =	sdelay $0x3  }
0x94: {  	_ =	strace s3  }
0x95: {  	s3 =	sld [smem:$0x3FFD];
	_ =	sdelay $0x3  }
0x96: {  	_ =	strace s3  }
0x97: {  	_ =	strace $0x8FFFFFFF  }
0x98: {  	s19 =	sld [smem:$0x3FDB];
	_ =	sdelay $0x1  }
0x99: {  	s4 =	simm.s32 $_scs_section_size  }
0x9a: {  	s5 =	simm.s32 $_size__tile_overlayer_lowered;
	s6 =	simm.s32 $_tile_overlayer_lowered  }
0x9b: {  	s22 =	simm.s32 $0x1BFF;
	s21 =	sshll.u32 s6, $0x1;
	s3 =	sadd.s32 s4, s19  }
0x9c: {  	s7 =	simm.s32 $0x0;
	s20 =	sshll.u32 s5, $0x1;
	s5 =	sadd.s32 s21, s3  }
0x9d: {  	[timem:s7], [sflag:s22] =	dma.local [hbm:s5], s20  }
0x9e: {  	_ =	swait.ge [sflag:s22], s20  }
0x9f: {  	s4 =	ssub.s32 $0x0, s20;
	[sflag:s22] =	ssyncset.done $0x0  }
0xa0: {  	[sflag:s22] =	ssyncadd.s32 s4;
	_ =	sdelay $0x1  }
0xa1: {  	s23 =	simm.s32 $0x1B8B  }
0xa2: {  	_ =	swait.ge [sflag:s23], $0x1  }
0xa3: {  	[sflag:s23] =	ssyncset.done $0x0  }
0xa4: {  	s25 =	simm.s32 $0x1B8E;
	s24 =	sld [smem:$0x3FFE];
	[sflag:s23] =	ssyncadd.s32 $0xFFFFFFFF  }
0xa5: {  	s26 =	simm.s32 $execute0_lowered;
	[smem:$0x3FD2] =	sst s25  }
0xa6: {  	s5 =	sshll.u32 s26, $0x1;
	_ =	strace $0x80000046;
	[dreg:$0x1] =	wrdreg $0xFFFFFFFF  }
0xa7: {  	s28 =	simm.s32 $_size_execute0_lowered;
	s3 =	sadd.s32 s3, s5;
	[dreg:$0x0] =	wrdreg $0x0  }
0xa8: {  	s5 =	sshll.u32 s28, $0x1;
	[dreg:$0x2] =	wrdreg s3  }
0xa9: {  	[dreg:$0x3] =	wrdreg s5  }
0xaa: {  	[dreg:$0x4] =	wrdreg $0xC0  }
0xab: {  	_ =	task [dreg:s7], $0x5FFFF  }
0xac: {  	[dreg:$0x1] =	wrdreg $0xFFFFFFFF  }
0xad: {  	[dreg:$0x0] =	wrdreg $0x60  }
0xae: {  	[dreg:$0x2] =	wrdreg s24  }
0xaf: {  	[dreg:$0x3] =	wrdreg s2  }
0xb0: {  	[dreg:$0x4] =	wrdreg $0x9  }
0xb1: {  	_ =	task.clear_ibuf [dreg:s7], $0x5FFFF;
	_ =	strace $0x90000046  }
0xb2: {  	s29 =	simm.s32 $0x9;
	_ =	strace $0x80000048  }
0xb3: {  	_ =	swait.ge [sflag:s29], $0x1  }
0xb4: {  	[sflag:s29] =	ssyncadd.s32 $0xFFFFFFFF  }
0xb5: {  	_ =	strace $0x90000048  }
0xb6: {  	_ =	sfence  }
0xb7: {  	s30 =	sld [smem:$0x0];
	_ =	sdelay $0x2  }
0xb8: {  	s31 =	sshll.u32 s1, $0xD;
	s1 =	sshrl.u32 s1, $0x2  }
0xb9: {  	s3 =	sand.u32 $0x4000, s31;
	s1 =	sadd.s32 s1, s30  }
0xba: {  	s0 =	sor.u32 s3, s0;
	s1 =	sshll.u32 s1, $0x11  }
0xbb: {  	s0 =	sor.u32 s1, s0  }
0xbc: {  	s0 =	sadd.s32 $0x8F2B, s0  }
0xbd: {  	[sflag:s0] =	ssyncadd.remote.s32 $0x1  }
0xbe: {  	_ =	sfence.sel $0xFFFF  }
0xbf: {  	[dreg:$0x0] =	wrdreg $0xFFFFFFFF;
	(pc) =	sbr.abs _section_cstart, $3  }
0xc0: {  	[dreg:$0x1] =	wrdreg $0xFFFFFFFF  }
0xc1: {  	_ =	task.clear_ibuf [dreg:s7], $0x2FFFF;
	_ =	strace $0x9FFFFFFF  }
0xc2: {  	(tm) =	ssettm $0x7FFFFFFF  }
0xc3: {  	_ =	shalt  }
tec
execute0_lowered:
.L_overlay_start_1:
0x0: {  	(tag) =	ssettag $0x1  }
0x1: {  	v0 =	vlaneseq.u32  }
0x2: {  	v0 =	vmul.u32 $0x88, v0  }
0x3: {  	s3 =	rddreg [dreg:$0x0];
	v1 =	vimm.s32 $0x0;
	vm0 =	vcmask $0x300  }
0x4: {  	s1 =	srdreg.scid;
	s0 =	stileid.u32;
	v1 =	vsel vm0, $0x3, v1;
	v2 =	vadd.s32 $0x880, v0  }
0x5: {  	s5 =	rddreg [dreg:$0x1];
	s2 =	simm.s32 $0x0;
	s9 =	simm.s32 $0x3;
	v3 =	vadd.s32 $0x1100, v0;
	v4 =	vadd.s32 $0x1980, v0;
	v5 =	vor.u32 $0x1, v0  }
0x6: {  	s10 =	simm.s32 $0x6400;
	s11 =	simm.s32 $0x8400;
	s12 =	simm.s32 $0x100;
	v6 =	vadd.s32 $0x881, v0;
	v7 =	vadd.s32 $0x1101, v0;
	v8 =	vadd.s32 $0x1981, v0  }
0x7: {  	s13 =	simm.s32 $0xA400;
	s14 =	simm.s32 $0x180;
	s15 =	simm.s32 $0xC400;
	v9 =	vor.u32 $0x2, v0;
	v10 =	vadd.s32 $0x882, v0;
	v11 =	vadd.s32 $0x1102, v0  }
0x8: {  	s16 =	simm.s32 $0x1;
	s17 =	simm.s32 $0x2;
	s18 =	simm.s32 $0x0;
	v12 =	vadd.s32 $0x1982, v0;
	v13 =	vor.u32 $0x3, v0;
	v14 =	vadd.s32 $0x883, v0  }
0x9: {  	s4 =	sand.u32 $0x1, s1;
	s6 =	sshll.u32 s0, $0x1;
	s1 =	rddreg [dreg:$0x2];
	v15 =	vadd.s32 $0x1103, v0;
	v16 =	vadd.s32 $0x1983, v0;
	v17 =	vor.u32 $0x4, v0  }
0xa: {  	[smem:$0x7FF] =	sst s2;
	s6 =	sor.u32 s4, s6;
	s4 =	ssub.s32 $0x2, s4;
	v18 =	vadd.s32 $0x884, v0;
	v19 =	vadd.s32 $0x1104, v0;
	v20 =	vadd.s32 $0x1984, v0  }
0xb: {  	_ =	strace $0x80000047;
	s7 =	sshll.u32 s6, $0x4;
	s8 =	sshrl.u32 s4, $0x1;
	v21 =	vor.u32 $0x5, v0;
	v22 =	vadd.s32 $0x885, v0;
	v23 =	vadd.s32 $0x1105, v0  }
0xc: {  	s6 =	sshll.u32 s6, $0x7;
	v24 =	vadd.s32 $0x1985, v0;
	v25 =	vor.u32 $0x6, v0;
	v26 =	vadd.s32 $0x886, v0;
	s7 =	sadd.s32 s7, s3;
	s3 =	sadd.s32 $0xF42A00, s3  }
0xd: {  	v27 =	vadd.s32 $0x1106, v0;
	v28 =	vadd.s32 $0x1986, v0;
	v29 =	vor.u32 $0x7, v0;
	s8 =	ssub.s32 s4, s8;
	s5 =	sadd.s32 s5, s6;
	s4 =	sadd.s32 $0x600, s7  }
0xe: {  	v30 =	vadd.s32 $0x887, v0;
	v31 =	vadd.s32 $0x1107, v0;
	v32 =	vadd.s32 $0x1987, v0;
	s6 =	smax.u32 s8, $0x1;
	s7 =	simm.s32 $0x80;
	s8 =	simm.s32 $0x1000  }
.LBB2_1:
0xf: {  	[tilespmem:s2], [sflag:$0x3] =	stream.strided.gather [hbm4b:s4+s7], $0x6400, s8, s7, $0x38;
	[tilespmem:$0x18A00] =	vst v63  }
0x10: {  	_ =	swait.ge [sflag:s9], $0x6400  }
0x11: {  	[sflag:s9] =	ssyncset.done $0x0  }
0x12: {  	[sflag:s9] =	ssyncadd.s32 $0xFFFF9C00  }
0x13: {  	[tilespmem:s10], [sflag:$0x1] =	stream.indirect.gather [hbm4b:s3+s7], $0x40, s2, s7, $0xb8;
	[tilespmem:$0x18A00] =	vst v63  }
0x14: {  	_ = 	snop  }
0x15: {  	[tilespmem:s11], [sflag:$0x1] =	stream.indirect.gather [hbm4b:s3+s7], $0x40, s7, s7, $0xb8;
	[tilespmem:$0x18A00] =	vst v63  }
0x16: {  	_ = 	snop  }
0x17: {  	[tilespmem:s13], [sflag:$0x1] =	stream.indirect.gather [hbm4b:s3+s7], $0x40, s12, s7, $0xb8;
	[tilespmem:$0x18A00] =	vst v63  }
0x18: {  	s19 =	simm.s32 $0x65F0;
	s20 =	simm.s32 $0x12400;
	s21 =	simm.s32 $0x0  }
0x19: {  	[tilespmem:s15], [sflag:$0x1] =	stream.indirect.gather [hbm4b:s3+s7], $0x40, s14, s7, $0xb8;
	[tilespmem:$0x18A00] =	vst v63  }
.LBB2_2:
0x1a: {  	s23 =	smulhi.u32 $0xAAAAAAAB, s21;
	_ =	sdelay $0x1  }
0x1b: {  	s22 =	sshrl.u32 s23, $0x2  }
0x1c: {  	s24 =	simm.s32 $0x0;
	s22 =	smul.u32 $0xFFFD0000, s22  }
0x1d: {  	_ =	swait.ge [sflag:s16], $0x2000;
	s29 =	simm.s32 $0x1;
	s30 =	simm.s32 $0x2  }
0x1e: {  	p0 =	slt.u32 s21, $0x3;
	s31 =	simm.s32 $0x3;
	v33 =	vmov s24;
	v35 =	vmov s29;
	v36 =	vmov s30;
	s22 =	sshra.s32 s22, $0x2  }
0x1f: {  	s25 =	smul.u32 $0xAB, s21;
	[sflag:s16] =	ssyncset.done $0x0;
	s26 =	simm.s32 @!p0 $0x2;
	v37 =	vmov s31;
	v34 =	vshrl.u32 v33, $0x3;
	v33 =	vmov s22  }
0x20: {  	s29 =	simm.s32 $0x7;
	s31 =	simm.s32 $0x4;
	v35 =	vshrl.u32 v35, $0x3;
	[sflag:s16] =	ssyncadd.s32 $0xFFFFE000;
	v36 =	vshrl.u32 v36, $0x3;
	v37 =	vshrl.u32 v37, $0x3  }
0x21: {  	s30 =	sshrl.u32 s25, $0x9;
	v38 =	vmov s29;
	v39 =	vmov s31;
	v34 =	vshll.u32 v34, v1;
	_ =	swait.ge @!p0 [sflag:s26], $0x2000  }
0x22: {  	s25 =	simm.s32 $0x5;
	v35 =	vshll.u32 v35, v1;
	s24 =	sand.u32 $0x7F, s30;
	v36 =	vshll.u32 v36, v1;
	v38 =	vshrl.u32 v38, $0x3;
	[sflag:s26] =	ssyncset.done @!p0 $0x0  }
0x23: {  	s29 =	simm.s32 $0x6;
	v39 =	vshrl.u32 v39, $0x3;
	v40 =	vmov s25;
	v38 =	vshll.u32 v38, v1;
	[sflag:s26] =	ssyncadd.s32 @!p0 $0xFFFFE000;
	s22 =	smul.u32 $0x3, s24  }
0x24: {  	v37 =	vshll.u32 v37, v1;
	v62 =	vmov s29;
	v43 =	vbroadcast v38, $0x0;
	v41 =	vld.idx.msk [tilespmem:v33+s19+$0xFFFFFFD0 ss:$0x1], $0xffff  }
0x25: {  	v40 =	vshrl.u32 v40, $0x3;
	v42 =	vshll.u32 v39, v1;
	v44 =	vbroadcast v34, $0x0;
	s22 =	ssub.s32 s21, s22;
	v45 =	vld.idx.msk [tilespmem:v33+s19+$0xFFFFFE10 ss:$0x1], $0xffff  }
0x26: {  	v34 =	vshrl.u32 v62, $0x3;
	v38 =	vbroadcast v35, $0x0;
	v47 =	vadd.s32 v29, v43;
	s22 =	sand.u32 $0xFF, s22;
	v46 =	vld.idx.msk [tilespmem:v33+s19+$0xFFFFFE50 ss:$0x1], $0xffff  }
0x27: {  	v39 =	vbroadcast v36, $0x0;
	v40 =	vshll.u32 v40, v1;
	v49 =	vadd.s32 v0, v44;
	s22 =	smul.u32 $0x8800, s22;
	v48 =	vld.idx.msk [tilespmem:v33+s19+$0xFFFFFE90 ss:$0x1], $0xffff  }
0x28: {  	v34 =	vshll.u32 v34, v1;
	v35 =	vbroadcast v37, $0x0;
	v51 =	vadd.s32 v5, v38;
	v50 =	vld.idx.msk [tilespmem:v33+s19+$0xFFFFFED0 ss:$0x1], $0xffff  }
0x29: {  	v53 =	vadd.s32 v9, v39;
	v37 =	vbroadcast v40, $0x0;
	v63 =	vld.idx.msk [tilespmem:v33+s19+$0xFFFFFF50 ss:$0x1], $0xffff;
	s22 =	sshrl.u32 s22, $0x2;
	v41 =	vmul.f32 $8.000000000e+00, v41  }
0x2a: {  	v36 =	vbroadcast v42, $0x0;
	v54 =	vadd.s32 v13, v35;
	v52 =	vld.idx.msk [tilespmem:v33+s19+$0xFFFFFF10 ss:$0x1], $0xffff;
	s22 =	sadd.s32 $0x12400, s22;
	v45 =	vmul.f32 $8.000000000e+00, v45  }
0x2b: {  	v34 =	vbroadcast v34, $0x0;
	v58 =	vadd.s32 v21, v37;
	v40 =	vld.idx.msk [tilespmem:v33+s19+$0xFFFFFF90 ss:$0x1], $0xffff;
	v46 =	vmul.f32 $8.000000000e+00, v46;
	[tilespmem:v47+s22+$0x0] =	vst.idx.msk $0xffff, v41  }
0x2c: {  	v55 =	vadd.s32 v17, v36;
	v57 =	vmul.f32 $8.000000000e+00, v48;
	[tilespmem:v49+s22+$0x0] =	vst.idx.msk $0xffff, v45;
	v47 =	vld.idx.msk [tilespmem:v33+s19+$0xFFFFFFE0 ss:$0x1], $0xffff  }
0x2d: {  	v61 =	vadd.s32 v25, v34;
	v60 =	vmul.f32 $8.000000000e+00, v50;
	[tilespmem:v51+s22+$0x0] =	vst.idx.msk $0xffff, v46;
	v59 =	vld.idx.msk [tilespmem:v33+s19+$0xFFFFFE20 ss:$0x1], $0xffff  }
0x2e: {  	v56 =	vadd.s32 v14, v35;
	v42 =	vmul.f32 $8.000000000e+00, v63;
	[tilespmem:v53+s22+$0x0] =	vst.idx.msk $0xffff, v57;
	v50 =	vld.idx.msk [tilespmem:v33+s19+$0xFFFFFE60 ss:$0x1], $0xffff  }
0x2f: {  	v62 =	vmul.f32 $8.000000000e+00, v52;
	[tilespmem:v54+s22+$0x0] =	vst.idx.msk $0xffff, v60;
	v46 =	vadd.s32 v30, v43;
	v51 =	vld.idx.msk [tilespmem:v33+s19+$0xFFFFFEA0 ss:$0x1], $0xffff  }
0x30: {  	s30 =	simm.s32 $0x8;
	v63 =	vadd.s32 v2, v44;
	v40 =	vmul.f32 $8.000000000e+00, v40;
	[tilespmem:v58+s22+$0x0] =	vst.idx.msk $0xffff, v42;
	v53 =	vld.idx.msk [tilespmem:v33+s19+$0xFFFFFEE0 ss:$0x1], $0xffff  }
0x31: {  	s31 =	simm.s32 $0x9;
	[tilespmem:v55+s22+$0x0] =	vst.idx.msk $0xffff, v62;
	v60 =	vmov s30;
	v54 =	vadd.s32 v6, v38;
	v42 =	vadd.s32 v10, v39;
	v45 =	vld.idx.msk [tilespmem:v33+s19+$0xFFFFFF60 ss:$0x1], $0xffff  }
0x32: {  	[tilespmem:v61+s22+$0x0] =	vst.idx.msk $0xffff, v40;
	v61 =	vmov s31;
	v41 =	vshrl.u32 v60, $0x3;
	v47 =	vmul.f32 $8.000000000e+00, v47  }
0x33: {  	s26 =	simm.s32 $0xB;
	v55 =	vld.idx.msk [tilespmem:v33+s19+$0xFFFFFF20 ss:$0x1], $0xffff;
	v60 =	vadd.s32 v22, v37;
	v49 =	vshrl.u32 v61, $0x3;
	v48 =	vmul.f32 $8.000000000e+00, v59  }
0x34: {  	v57 =	vld.idx.msk [tilespmem:v33+s19+$0xFFFFFFA0 ss:$0x1], $0xffff;
	v61 =	vmov s26;
	v40 =	vshll.u32 v41, v1;
	v62 =	vmul.f32 $8.000000000e+00, v50;
	[tilespmem:v46+s22+$0x0] =	vst.idx.msk $0xffff, v47  }
0x35: {  	v50 =	vadd.s32 v18, v36;
	v53 =	vmul.f32 $8.000000000e+00, v53;
	[tilespmem:v63+s22+$0x0] =	vst.idx.msk $0xffff, v48;
	v63 =	vmul.f32 $8.000000000e+00, v51;
	v51 =	vld.idx.msk [tilespmem:v33+s19+$0xFFFFFFF0 ss:$0x1], $0xffff  }
0x36: {  	s25 =	simm.s32 $0xA;
	v41 =	vshll.u32 v49, v1;
	v49 =	vshrl.u32 v61, $0x3;
	v45 =	vmul.f32 $8.000000000e+00, v45;
	[tilespmem:v54+s22+$0x0] =	vst.idx.msk $0xffff, v62;
	v52 =	vld.idx.msk [tilespmem:v33+s19+$0xFFFFFE30 ss:$0x1], $0xffff  }
0x37: {  	v46 =	vmov s25;
	v54 =	vadd.s32 v26, v34;
	[tilespmem:v56+s22+$0x0] =	vst.idx.msk $0xffff, v53;
	v53 =	vadd.s32 v31, v43;
	v58 =	vld.idx.msk [tilespmem:v33+s19+$0xFFFFFE70 ss:$0x1], $0xffff  }
0x38: {  	v62 =	vmul.f32 $8.000000000e+00, v55;
	v55 =	vadd.s32 v3, v44;
	v46 =	vshrl.u32 v46, $0x3;
	v56 =	vld.idx.msk [tilespmem:v33+s19+$0xFFFFFEF0 ss:$0x1], $0xffff;
	[tilespmem:v42+s22+$0x0] =	vst.idx.msk $0xffff, v63  }
0x39: {  	s29 =	simm.s32 $0xC;
	[tilespmem:v60+s22+$0x0] =	vst.idx.msk $0xffff, v45;
	v60 =	vadd.s32 v11, v39;
	v42 =	vshll.u32 v46, v1;
	v47 =	vld.idx.msk [tilespmem:v33+s19+$0xFFFFFEB0 ss:$0x1], $0xffff  }
0x3a: {  	v61 =	vld.idx.msk [tilespmem:v33+s19+$0xFFFFFF70 ss:$0x1], $0xffff;
	v63 =	vmov s29;
	[tilespmem:v50+s22+$0x0] =	vst.idx.msk $0xffff, v62;
	v50 =	vmul.f32 $8.000000000e+00, v57;
	v57 =	vadd.s32 v7, v38  }
0x3b: {  	v46 =	vshll.u32 v49, v1;
	v45 =	vshrl.u32 v63, $0x3;
	v59 =	vld.idx.msk [tilespmem:v33+s19+$0xFFFFFF30 ss:$0x1], $0xffff;
	v48 =	vmul.f32 $8.000000000e+00, v51  }
0x3c: {  	v63 =	vadd.s32 v19, v36;
	[tilespmem:v54+s22+$0x0] =	vst.idx.msk $0xffff, v50;
	v49 =	vmul.f32 $8.000000000e+00, v52;
	v52 =	vadd.s32 v15, v35  }
0x3d: {  	s23 =	sshrl.u32 s23, $0x1;
	s30 =	simm.s32 $0xD;
	v45 =	vshll.u32 v45, v1;
	v62 =	vld.idx.msk [tilespmem:v33+s19+$0xFFFFFFB0 ss:$0x1], $0xffff;
	v51 =	vmul.f32 $8.000000000e+00, v58;
	[tilespmem:v53+s22+$0x0] =	vst.idx.msk $0xffff, v48  }
0x3e: {  	s23 =	smul.u32 $0xFFFE6800, s23;
	v58 =	vmov s30;
	[tilespmem:v55+s22+$0x0] =	vst.idx.msk $0xffff, v49;
	v49 =	vmul.f32 $8.000000000e+00, v47;
	v53 =	vadd.s32 v23, v37;
	v50 =	vld.idx.msk [tilespmem:v33+s19+$0x0 ss:$0x1], $0xffff  }
0x3f: {  	v54 =	vadd.s32 v27, v34;
	v58 =	vshrl.u32 v58, $0x3;
	[tilespmem:v57+s22+$0x0] =	vst.idx.msk $0xffff, v51;
	v55 =	vmul.f32 $8.000000000e+00, v56;
	v48 =	vld.idx.msk [tilespmem:v33+s19+$0xFFFFFE40 ss:$0x1], $0xffff  }
0x40: {  	s23 =	sshra.s32 s23, $0x2;
	s31 =	simm.s32 $0xE;
	v47 =	vshll.u32 v58, v1;
	v51 =	vld.idx.msk [tilespmem:v33+s19+$0xFFFFFE80 ss:$0x1], $0xffff;
	v59 =	vmul.f32 $8.000000000e+00, v59;
	[tilespmem:v60+s22+$0x0] =	vst.idx.msk $0xffff, v49  }
0x41: {  	s28 =	simm.s32 $0xF;
	s23 =	sadd.s32 s23, s20;
	v57 =	vmul.f32 $8.000000000e+00, v61;
	v60 =	vmov s31;
	v49 =	vld.idx.msk [tilespmem:v33+s19+$0xFFFFFEC0 ss:$0x1], $0xffff;
	[tilespmem:v52+s22+$0x0] =	vst.idx.msk $0xffff, v55;
	v55 =	vadd.s32 v32, v43  }
0x42: {  	s24 =	smov.u32 s19;
	s26 =	simm.s32 $0x10;
	s25 =	smov.u32 s19;
	v56 =	vadd.s32 v4, v44;
	v58 =	vshrl.u32 v60, $0x3;
	[tilespmem:v63+s22+$0x0] =	vst.idx.msk $0xffff, v59;
	v43 =	vmul.f32 $8.000000000e+00, v62;
	v52 =	vld.idx.msk [tilespmem:v33+s19+$0xFFFFFF00 ss:$0x1], $0xffff  }
.LBB2_3:
0x43: {  	p0 =	slt.u32 s26, $0x78;
	v58 =	vshll.u32 v58, v1;
	v44 =	vmov s28;
	v59 =	vadd.s32 v8, v38;
	v60 =	vld.idx.msk [tilespmem:v33+s25+$0xFFFFFF40 ss:$0x1], $0xffff;
	[tilespmem:v53+s22+$0x0] =	vst.idx.msk $0xffff, v57  }
0x44: {  	v53 =	vadd.s32 v12, v39;
	v39 =	vmul.f32 $8.000000000e+00, v50;
	s25 =	sadd.s32 $0x200, s25;
	v38 =	vshrl.u32 v44, $0x3;
	v57 =	vld.idx.msk [tilespmem:v33+s24+$0xFFFFFF80 ss:$0x1], $0xffff;
	[tilespmem:v54+s22+$0x0] =	vst.idx.msk $0xffff, v43  }
0x45: {  	v48 =	vmul.f32 $8.000000000e+00, v48;
	v54 =	vadd.s32 v16, v35;
	v50 =	vld.idx.msk [tilespmem:v33+s25+$0xFFFFFFD0 ss:$0x1], $0xffff;
	v38 =	vshll.u32 v38, v1  }
0x46: {  	v35 =	vmul.f32 $8.000000000e+00, v51;
	v51 =	vadd.s32 v20, v36;
	v61 =	vld.idx.msk [tilespmem:v33+s25+$0xFFFFFE10 ss:$0x1], $0xffff;
	v44 =	vbroadcast v38, $0x0;
	[tilespmem:v55+s22+$0x0] =	vst.idx.msk $0xffff, v39  }
0x47: {  	v43 =	vbroadcast v40, $0x0;
	v36 =	vmul.f32 $8.000000000e+00, v49;
	v40 =	vld.idx.msk [tilespmem:v33+s25+$0xFFFFFE50 ss:$0x1], $0xffff;
	[tilespmem:v56+s22+$0x0] =	vst.idx.msk $0xffff, v48;
	v48 =	vadd.s32 v24, v37  }
0x48: {  	v38 =	vbroadcast v41, $0x0;
	v37 =	vmul.f32 $8.000000000e+00, v52;
	v41 =	vld.idx.msk [tilespmem:v33+s25+$0xFFFFFE90 ss:$0x1], $0xffff;
	v49 =	vadd.s32 v29, v44;
	[tilespmem:v59+s22+$0x0] =	vst.idx.msk $0xffff, v35  }
0x49: {  	v39 =	vbroadcast v42, $0x0;
	v52 =	vadd.s32 v0, v43;
	v42 =	vld.idx.msk [tilespmem:v33+s25+$0xFFFFFED0 ss:$0x1], $0xffff;
	[tilespmem:v53+s22+$0x0] =	vst.idx.msk $0xffff, v36;
	v53 =	vmul.f32 $8.000000000e+00, v60  }
0x4a: {  	v55 =	vadd.s32 v5, v38;
	v35 =	vbroadcast v46, $0x0;
	v46 =	vld.idx.msk [tilespmem:v33+s25+$0xFFFFFF10 ss:$0x1], $0xffff;
	[tilespmem:v54+s22+$0x0] =	vst.idx.msk $0xffff, v37;
	v54 =	vmul.f32 $8.000000000e+00, v57  }
0x4b: {  	v56 =	vadd.s32 v9, v39;
	v36 =	vbroadcast v45, $0x0;
	v50 =	vmul.f32 $8.000000000e+00, v50;
	v45 =	vld.idx.msk [tilespmem:v33+s25+$0xFFFFFF50 ss:$0x1], $0xffff;
	[tilespmem:v51+s22+$0x0] =	vst.idx.msk $0xffff, v53  }
0x4c: {  	v37 =	vbroadcast v47, $0x0;
	v51 =	vmul.f32 $8.000000000e+00, v61;
	v53 =	vadd.s32 v13, v35;
	v47 =	vld.idx.msk [tilespmem:v33+s25+$0xFFFFFF90 ss:$0x1], $0xffff;
	[tilespmem:v48+s22+$0x0] =	vst.idx.msk $0xffff, v54  }
0x4d: {  	v40 =	vmul.f32 $8.000000000e+00, v40;
	v48 =	vadd.s32 v17, v36;
	v54 =	vbroadcast v58, $0x0;
	[tilespmem:v49+s22+$0x0] =	vst.idx.msk $0xffff, v50;
	v49 =	vld.idx.msk [tilespmem:v33+s24+$0xFFFFFFC0 ss:$0x1], $0xffff;
	s24 =	smov.u32 s25  }
0x4e: {  	v41 =	vmul.f32 $8.000000000e+00, v41;
	v50 =	vadd.s32 v21, v37;
	[tilespmem:v52+s22+$0x0] =	vst.idx.msk $0xffff, v51;
	v51 =	vld.idx.msk [tilespmem:v33+s25+$0xFFFFFFE0 ss:$0x1], $0xffff  }
0x4f: {  	v52 =	vld.idx.msk [tilespmem:v33+s25+$0xFFFFFE20 ss:$0x1], $0xffff;
	[tilespmem:v55+s22+$0x0] =	vst.idx.msk $0xffff, v40;
	v40 =	vmul.f32 $8.000000000e+00, v42;
	v42 =	vadd.s32 v25, v54  }
0x50: {  	v55 =	vld.idx.msk [tilespmem:v33+s25+$0xFFFFFE60 ss:$0x1], $0xffff;
	[tilespmem:v56+s22+$0x0] =	vst.idx.msk $0xffff, v41;
	v41 =	vmul.f32 $8.000000000e+00, v46;
	v46 =	vadd.s32 v28, v34;
	v34 =	vmov v54  }
0x51: {  	v54 =	vld.idx.msk [tilespmem:v33+s25+$0xFFFFFEA0 ss:$0x1], $0xffff;
	[tilespmem:v53+s22+$0x0] =	vst.idx.msk $0xffff, v40;
	v40 =	vmul.f32 $8.000000000e+00, v45;
	v45 =	vadd.s32 v30, v44  }
0x52: {  	v53 =	vadd.s32 v2, v43;
	v56 =	vld.idx.msk [tilespmem:v33+s25+$0xFFFFFEE0 ss:$0x1], $0xffff;
	[tilespmem:v48+s22+$0x0] =	vst.idx.msk $0xffff, v41;
	v41 =	vmul.f32 $8.000000000e+00, v47  }
0x53: {  	v47 =	vmov s26;
	v48 =	vadd.s32 v6, v38;
	v57 =	vld.idx.msk [tilespmem:v33+s25+$0xFFFFFF20 ss:$0x1], $0xffff;
	[tilespmem:v50+s22+$0x0] =	vst.idx.msk $0xffff, v40;
	v40 =	vmul.f32 $8.000000000e+00, v49  }
0x54: {  	s28 =	sadd.s32 $0x1, s26;
	v47 =	vshrl.u32 v47, $0x3;
	v49 =	vadd.s32 v10, v39;
	v50 =	vld.idx.msk [tilespmem:v33+s25+$0xFFFFFF60 ss:$0x1], $0xffff;
	[tilespmem:v42+s22+$0x0] =	vst.idx.msk $0xffff, v41;
	v41 =	vmul.f32 $8.000000000e+00, v51  }
0x55: {  	v42 =	vmov s28;
	v51 =	vmul.f32 $8.000000000e+00, v52;
	v52 =	vadd.s32 v14, v35;
	v58 =	vld.idx.msk [tilespmem:v33+s25+$0xFFFFFFA0 ss:$0x1], $0xffff;
	[tilespmem:v46+s22+$0x0] =	vst.idx.msk $0xffff, v40  }
0x56: {  	s28 =	sadd.s32 $0x2, s26;
	v40 =	vshll.u32 v47, v1;
	v46 =	vmul.f32 $8.000000000e+00, v55;
	v47 =	vadd.s32 v18, v36;
	[tilespmem:v45+s22+$0x0] =	vst.idx.msk $0xffff, v41  }
0x57: {  	v45 =	vmov s28;
	[tilespmem:v53+s22+$0x0] =	vst.idx.msk $0xffff, v51;
	v51 =	vmul.f32 $8.000000000e+00, v54;
	v53 =	vadd.s32 v22, v37;
	v54 =	vld.idx.msk [tilespmem:v33+s25+$0xFFFFFFF0 ss:$0x1], $0xffff  }
0x58: {  	v41 =	vshrl.u32 v42, $0x3;
	s28 =	sadd.s32 $0x3, s26;
	v42 =	vmul.f32 $8.000000000e+00, v56;
	v55 =	vld.idx.msk [tilespmem:v33+s25+$0xFFFFFE30 ss:$0x1], $0xffff;
	[tilespmem:v48+s22+$0x0] =	vst.idx.msk $0xffff, v46;
	v46 =	vadd.s32 v26, v34  }
0x59: {  	v41 =	vshll.u32 v41, v1;
	v48 =	vmov s28;
	v56 =	vld.idx.msk [tilespmem:v33+s25+$0xFFFFFE70 ss:$0x1], $0xffff;
	[tilespmem:v49+s22+$0x0] =	vst.idx.msk $0xffff, v51;
	v49 =	vmul.f32 $8.000000000e+00, v57  }
0x5a: {  	v45 =	vshrl.u32 v45, $0x3;
	v50 =	vmul.f32 $8.000000000e+00, v50;
	v51 =	vld.idx.msk [tilespmem:v33+s25+$0xFFFFFEB0 ss:$0x1], $0xffff;
	[tilespmem:v52+s22+$0x0] =	vst.idx.msk $0xffff, v42;
	v52 =	vadd.s32 v31, v44  }
0x5b: {  	s28 =	sadd.s32 $0x4, s26;
	v48 =	vshrl.u32 v48, $0x3;
	v57 =	vadd.s32 v3, v43;
	v59 =	vld.idx.msk [tilespmem:v33+s25+$0xFFFFFEF0 ss:$0x1], $0xffff;
	[tilespmem:v47+s22+$0x0] =	vst.idx.msk $0xffff, v49;
	v47 =	vmul.f32 $8.000000000e+00, v58  }
0x5c: {  	v42 =	vshll.u32 v45, v1;
	v45 =	vmov s28;
	v49 =	vadd.s32 v7, v38;
	v58 =	vld.idx.msk [tilespmem:v33+s25+$0xFFFFFF30 ss:$0x1], $0xffff;
	[tilespmem:v53+s22+$0x0] =	vst.idx.msk $0xffff, v50  }
0x5d: {  	v60 =	vadd.s32 v11, v39;
	v45 =	vshrl.u32 v45, $0x3;
	v61 =	vld.idx.msk [tilespmem:v33+s25+$0xFFFFFF70 ss:$0x1], $0xffff;
	[tilespmem:v46+s22+$0x0] =	vst.idx.msk $0xffff, v47;
	v47 =	vmul.f32 $8.000000000e+00, v54  }
0x5e: {  	v46 =	vshll.u32 v48, v1;
	v48 =	vmul.f32 $8.000000000e+00, v55;
	v55 =	vadd.s32 v15, v35;
	v62 =	vld.idx.msk [tilespmem:v33+s25+$0xFFFFFFB0 ss:$0x1], $0xffff  }
0x5f: {  	v63 =	vadd.s32 v19, v36;
	s28 =	sadd.s32 $0x5, s26;
	v45 =	vshll.u32 v45, v1;
	v54 =	vmul.f32 $8.000000000e+00, v56;
	[tilespmem:v52+s22+$0x0] =	vst.idx.msk $0xffff, v47  }
.Ltmp0:
0x60: {  	v53 =	vadd.s32 v23, v37;
	v47 =	vmov s28;
	v52 =	vmul.f32 $8.000000000e+00, v51;
	[tilespmem:v57+s22+$0x0] =	vst.idx.msk $0xffff, v48;
	v50 =	vld.idx.msk [tilespmem:v33+s25+$0x0 ss:$0x1], $0xffff;
	(pc) =	sbr.rel @p0 .LBB2_3-.Ltmp0, $4  }
0x61: {  	v47 =	vshrl.u32 v47, $0x3;
	v56 =	vmul.f32 $8.000000000e+00, v59;
	v48 =	vld.idx.msk [tilespmem:v33+s25+$0xFFFFFE40 ss:$0x1], $0xffff;
	[tilespmem:v49+s22+$0x0] =	vst.idx.msk $0xffff, v54;
	v54 =	vadd.s32 v27, v34  }
0x62: {  	s28 =	sadd.s32 $0x6, s26;
	v47 =	vshll.u32 v47, v1;
	v59 =	vmul.f32 $8.000000000e+00, v58;
	v51 =	vld.idx.msk [tilespmem:v33+s25+$0xFFFFFE80 ss:$0x1], $0xffff;
	[tilespmem:v60+s22+$0x0] =	vst.idx.msk $0xffff, v52  }
0x63: {  	v52 =	vmov s28;
	v57 =	vmul.f32 $8.000000000e+00, v61;
	v49 =	vld.idx.msk [tilespmem:v33+s25+$0xFFFFFEC0 ss:$0x1], $0xffff;
	[tilespmem:v55+s22+$0x0] =	vst.idx.msk $0xffff, v56;
	v55 =	vadd.s32 v32, v44  }
0x64: {  	s28 =	sadd.s32 $0x7, s26;
	s26 =	sadd.s32 $0x8, s26;
	v58 =	vshrl.u32 v52, $0x3;
	v56 =	vadd.s32 v4, v43;
	v43 =	vmul.f32 $8.000000000e+00, v62;
	v52 =	vld.idx.msk [tilespmem:v33+s25+$0xFFFFFF00 ss:$0x1], $0xffff;
	[tilespmem:v63+s22+$0x0] =	vst.idx.msk $0xffff, v59  }
0x65: {  	_ =	sdelay $0x3  }
0x66: {  	v44 =	vshll.u32 v58, v1;
	v62 =	vmov s28;
	v38 =	vadd.s32 v8, v38;
	v59 =	vld.idx.msk [tilespmem:v33+s25+$0xFFFFFF40 ss:$0x1], $0xffff  }
0x67: {  	[tilespmem:v53+s22+$0x0] =	vst.idx.msk $0xffff, v57;
	v39 =	vadd.s32 v12, v39;
	v50 =	vmul.f32 $8.000000000e+00, v50;
	v35 =	vadd.s32 v16, v35  }
0x68: {  	s30 =	sadd.s32 $0x200, s25;
	v36 =	vadd.s32 v20, v36;
	v63 =	vshrl.u32 v62, $0x3;
	v57 =	vld.idx.msk [tilespmem:v33+s24+$0xFFFFFF80 ss:$0x1], $0xffff;
	[tilespmem:v54+s22+$0x0] =	vst.idx.msk $0xffff, v43;
	v48 =	vmul.f32 $8.000000000e+00, v48  }
0x69: {  	v40 =	vbroadcast v40, $0x0;
	v60 =	vshll.u32 v63, v1;
	v51 =	vmul.f32 $8.000000000e+00, v51;
	[tilespmem:v55+s22+$0x0] =	vst.idx.msk $0xffff, v50;
	v50 =	vld.idx.msk [tilespmem:v33+s30+$0xFFFFFE10 ss:$0x1], $0xffff  }
0x6a: {  	v37 =	vadd.s32 v24, v37;
	v53 =	vld.idx.msk [tilespmem:v33+s30+$0xFFFFFFD0 ss:$0x1], $0xffff;
	v43 =	vbroadcast v60, $0x0;
	[tilespmem:v56+s22+$0x0] =	vst.idx.msk $0xffff, v48;
	v61 =	vmul.f32 $8.000000000e+00, v49  }
0x6b: {  	v41 =	vbroadcast v41, $0x0;
	v49 =	vld.idx.msk [tilespmem:v33+s30+$0xFFFFFE50 ss:$0x1], $0xffff;
	v62 =	vmul.f32 $8.000000000e+00, v52;
	v52 =	vadd.s32 v0, v40;
	[tilespmem:v38+s22+$0x0] =	vst.idx.msk $0xffff, v51  }
0x6c: {  	v42 =	vbroadcast v42, $0x0;
	v54 =	vadd.s32 v29, v43;
	v51 =	vld.idx.msk [tilespmem:v33+s30+$0xFFFFFE90 ss:$0x1], $0xffff;
	[tilespmem:v39+s22+$0x0] =	vst.idx.msk $0xffff, v61;
	v63 =	vmul.f32 $8.000000000e+00, v59  }
0x6d: {  	v46 =	vbroadcast v46, $0x0;
	v48 =	vld.idx.msk [tilespmem:v33+s30+$0xFFFFFED0 ss:$0x1], $0xffff;
	v60 =	vadd.s32 v5, v41;
	[tilespmem:v35+s22+$0x0] =	vst.idx.msk $0xffff, v62;
	v61 =	vmul.f32 $8.000000000e+00, v57  }
0x6e: {  	v45 =	vbroadcast v45, $0x0;
	v56 =	vadd.s32 v9, v42;
	v38 =	vld.idx.msk [tilespmem:v33+s30+$0xFFFFFF10 ss:$0x1], $0xffff;
	[tilespmem:v36+s22+$0x0] =	vst.idx.msk $0xffff, v63;
	v62 =	vmul.f32 $8.000000000e+00, v50  }
0x6f: {  	v47 =	vbroadcast v47, $0x0;
	v53 =	vmul.f32 $8.000000000e+00, v53;
	v36 =	vld.idx.msk [tilespmem:v33+s30+$0xFFFFFF50 ss:$0x1], $0xffff;
	v50 =	vadd.s32 v13, v46;
	[tilespmem:v37+s22+$0x0] =	vst.idx.msk $0xffff, v61  }
0x70: {  	v44 =	vbroadcast v44, $0x0;
	v35 =	vld.idx.msk [tilespmem:v33+s30+$0xFFFFFF90 ss:$0x1], $0xffff;
	v63 =	vmul.f32 $8.000000000e+00, v49;
	v49 =	vadd.s32 v17, v45;
	[tilespmem:v52+s22+$0x0] =	vst.idx.msk $0xffff, v62  }
0x71: {  	v58 =	vadd.s32 v21, v47;
	[tilespmem:v54+s22+$0x0] =	vst.idx.msk $0xffff, v53;
	v53 =	vld.idx.msk [tilespmem:v33+s24+$0xFFFFFFC0 ss:$0x1], $0xffff;
	v57 =	vmul.f32 $8.000000000e+00, v51  }
0x72: {  	v61 =	vadd.s32 v25, v44;
	[tilespmem:v60+s22+$0x0] =	vst.idx.msk $0xffff, v63;
	v60 =	vmul.f32 $8.000000000e+00, v48;
	v59 =	vld.idx.msk [tilespmem:v33+s30+$0xFFFFFFE0 ss:$0x1], $0xffff  }
0x73: {  	v34 =	vadd.s32 v28, v34;
	v62 =	vld.idx.msk [tilespmem:v33+s30+$0xFFFFFE20 ss:$0x1], $0xffff;
	v38 =	vmul.f32 $8.000000000e+00, v38;
	[tilespmem:v56+s22+$0x0] =	vst.idx.msk $0xffff, v57  }
0x74: {  	v37 =	vadd.s32 v30, v43;
	v63 =	vld.idx.msk [tilespmem:v33+s30+$0xFFFFFE60 ss:$0x1], $0xffff;
	[tilespmem:v50+s22+$0x0] =	vst.idx.msk $0xffff, v60;
	v36 =	vmul.f32 $8.000000000e+00, v36  }
0x75: {  	v35 =	vmul.f32 $8.000000000e+00, v35;
	v57 =	vadd.s32 v2, v40;
	v50 =	vld.idx.msk [tilespmem:v33+s30+$0xFFFFFEA0 ss:$0x1], $0xffff;
	[tilespmem:v49+s22+$0x0] =	vst.idx.msk $0xffff, v38  }
0x76: {  	v38 =	vld.idx.msk [tilespmem:v33+s30+$0xFFFFFEE0 ss:$0x1], $0xffff;
	v49 =	vadd.s32 v6, v41;
	[tilespmem:v58+s22+$0x0] =	vst.idx.msk $0xffff, v36;
	v58 =	vmul.f32 $8.000000000e+00, v53  }
0x77: {  	[tilespmem:v61+s22+$0x0] =	vst.idx.msk $0xffff, v35;
	v51 =	vld.idx.msk [tilespmem:v33+s30+$0xFFFFFF20 ss:$0x1], $0xffff;
	v53 =	vadd.s32 v10, v42;
	v59 =	vmul.f32 $8.000000000e+00, v59  }
0x78: {  	v61 =	vadd.s32 v14, v46;
	v48 =	vld.idx.msk [tilespmem:v33+s30+$0xFFFFFF60 ss:$0x1], $0xffff;
	v60 =	vmul.f32 $8.000000000e+00, v62;
	[tilespmem:v34+s22+$0x0] =	vst.idx.msk $0xffff, v58  }
0x79: {  	v62 =	vmul.f32 $8.000000000e+00, v63;
	v63 =	vadd.s32 v18, v45;
	v34 =	vld.idx.msk [tilespmem:v33+s30+$0xFFFFFFA0 ss:$0x1], $0xffff;
	[tilespmem:v37+s22+$0x0] =	vst.idx.msk $0xffff, v59  }
0x7a: {  	[tilespmem:v57+s22+$0x0] =	vst.idx.msk $0xffff, v60;
	v56 =	vmul.f32 $8.000000000e+00, v50;
	v37 =	vadd.s32 v22, v47;
	v57 =	vld.idx.msk [tilespmem:v33+s30+$0xFFFFFFF0 ss:$0x1], $0xffff  }
0x7b: {  	v52 =	vld.idx.msk [tilespmem:v33+s30+$0xFFFFFE30 ss:$0x1], $0xffff;
	[tilespmem:v49+s22+$0x0] =	vst.idx.msk $0xffff, v62;
	v58 =	vmul.f32 $8.000000000e+00, v38;
	v59 =	vadd.s32 v26, v44  }
0x7c: {  	v49 =	vld.idx.msk [tilespmem:v33+s30+$0xFFFFFE70 ss:$0x1], $0xffff;
	v60 =	vmul.f32 $8.000000000e+00, v51;
	v51 =	vadd.s32 v31, v43;
	[tilespmem:v53+s22+$0x0] =	vst.idx.msk $0xffff, v56  }
0x7d: {  	v62 =	vadd.s32 v3, v40;
	[tilespmem:v61+s22+$0x0] =	vst.idx.msk $0xffff, v58;
	v61 =	vmul.f32 $8.000000000e+00, v48;
	v53 =	vld.idx.msk [tilespmem:v33+s30+$0xFFFFFEB0 ss:$0x1], $0xffff  }
0x7e: {  	v54 =	vld.idx.msk [tilespmem:v33+s30+$0xFFFFFEF0 ss:$0x1], $0xffff;
	[tilespmem:v63+s22+$0x0] =	vst.idx.msk $0xffff, v60;
	v63 =	vadd.s32 v7, v41;
	v34 =	vmul.f32 $8.000000000e+00, v34  }
0x7f: {  	v36 =	vadd.s32 v11, v42;
	v39 =	vld.idx.msk [tilespmem:v33+s30+$0xFFFFFF30 ss:$0x1], $0xffff;
	[tilespmem:v37+s22+$0x0] =	vst.idx.msk $0xffff, v61;
	v57 =	vmul.f32 $8.000000000e+00, v57  }
0x80: {  	v60 =	vadd.s32 v15, v46;
	v58 =	vld.idx.msk [tilespmem:v33+s30+$0xFFFFFF70 ss:$0x1], $0xffff;
	[tilespmem:v59+s22+$0x0] =	vst.idx.msk $0xffff, v34;
	v59 =	vmul.f32 $8.000000000e+00, v52  }
0x81: {  	v61 =	vadd.s32 v19, v45;
	v49 =	vmul.f32 $8.000000000e+00, v49;
	v52 =	vld.idx.msk [tilespmem:v33+s30+$0xFFFFFFB0 ss:$0x1], $0xffff;
	[tilespmem:v51+s22+$0x0] =	vst.idx.msk $0xffff, v57  }
0x82: {  	v37 =	vadd.s32 v23, v47;
	[tilespmem:v62+s22+$0x0] =	vst.idx.msk $0xffff, v59;
	v62 =	vmul.f32 $8.000000000e+00, v53;
	v48 =	vld.idx.msk [tilespmem:v33+s30+$0x0 ss:$0x1], $0xffff  }
0x83: {  	[tilespmem:v63+s22+$0x0] =	vst.idx.msk $0xffff, v49;
	v63 =	vmul.f32 $8.000000000e+00, v54;
	v49 =	vadd.s32 v27, v44;
	v51 =	vld.idx.msk [tilespmem:v33+s30+$0xFFFFFE40 ss:$0x1], $0xffff  }
0x84: {  	v57 =	vadd.s32 v32, v43;
	v53 =	vld.idx.msk [tilespmem:v33+s30+$0xFFFFFE80 ss:$0x1], $0xffff;
	v56 =	vmul.f32 $8.000000000e+00, v39;
	[tilespmem:v36+s22+$0x0] =	vst.idx.msk $0xffff, v62  }
0x85: {  	v59 =	vadd.s32 v4, v40;
	[tilespmem:v60+s22+$0x0] =	vst.idx.msk $0xffff, v63;
	v39 =	vld.idx.msk [tilespmem:v33+s30+$0xFFFFFEC0 ss:$0x1], $0xffff;
	v58 =	vmul.f32 $8.000000000e+00, v58  }
0x86: {  	v41 =	vadd.s32 v8, v41;
	v60 =	vld.idx.msk [tilespmem:v33+s30+$0xFFFFFF00 ss:$0x1], $0xffff;
	[tilespmem:v61+s22+$0x0] =	vst.idx.msk $0xffff, v56;
	v61 =	vmul.f32 $8.000000000e+00, v52  }
0x87: {  	v63 =	vadd.s32 v12, v42;
	v62 =	vld.idx.msk [tilespmem:v33+s30+$0xFFFFFF40 ss:$0x1], $0xffff;
	[tilespmem:v37+s22+$0x0] =	vst.idx.msk $0xffff, v58;
	v52 =	vmul.f32 $8.000000000e+00, v48  }
0x88: {  	v46 =	vadd.s32 v16, v46;
	v54 =	vld.idx.msk [tilespmem:v33+s30+$0xFFFFFF80 ss:$0x1], $0xffff;
	[tilespmem:v49+s22+$0x0] =	vst.idx.msk $0xffff, v61;
	v55 =	vmul.f32 $8.000000000e+00, v51  }
0x89: {  	v45 =	vadd.s32 v20, v45;
	v56 =	vmul.f32 $8.000000000e+00, v53;
	[tilespmem:v57+s22+$0x0] =	vst.idx.msk $0xffff, v52;
	v57 =	vld.idx.msk [tilespmem:v33+s30+$0xFFFFFFC0 ss:$0x1], $0xffff  }
0x8a: {  	[tilespmem:v59+s22+$0x0] =	vst.idx.msk $0xffff, v55;
	v58 =	vmul.f32 $8.000000000e+00, v39;
	v59 =	vadd.s32 v24, v47  }
0x8b: {  	v61 =	vadd.s32 v28, v44;
	[tilespmem:v41+s22+$0x0] =	vst.idx.msk $0xffff, v56;
	v60 =	vmul.f32 $8.000000000e+00, v60  }
0x8c: {  	v62 =	vmul.f32 $8.000000000e+00, v62;
	[tilespmem:v63+s22+$0x0] =	vst.idx.msk $0xffff, v58  }
0x8d: {  	[tilespmem:v46+s22+$0x0] =	vst.idx.msk $0xffff, v60;
	v63 =	vmul.f32 $8.000000000e+00, v54  }
0x8e: {  	[tilespmem:v45+s22+$0x0] =	vst.idx.msk $0xffff, v62;
	v33 =	vmul.f32 $8.000000000e+00, v57  }
0x8f: {  	s31 =	sshll.u32 s21, $0xF;
	[tilespmem:v59+s22+$0x0] =	vst.idx.msk $0xffff, v63  }
0x90: {  	s26 =	sadd.s32 $0x0, s23;
	[tilespmem:v61+s22+$0x0] =	vst.idx.msk $0xffff, v33;
	s22 =	sadd.s32 s31, s5  }
0x91: {  	[hbm4b:s22+s2] =	stream.linear.scatter [tilespmem:s26], [sflag:$0x2], $0x80, $0x38;
	[tilespmem:$0x18A00] =	vst v63  }
0x92: {  	s25 =	sadd.s32 $0x88, s26;
	s29 =	sadd.s32 $0x10, s22  }
0x93: {  	[hbm4b:s29+s2] =	stream.linear.scatter [tilespmem:s25], [sflag:$0x2], $0x80, $0x38;
	[tilespmem:$0x18A00] =	vst v63  }
0x94: {  	s24 =	simm.s32 $0x440;
	s30 =	sadd.s32 $0x110, s26;
	s31 =	sadd.s32 $0x20, s22  }
0x95: {  	[hbm4b:s31+s2] =	stream.linear.scatter [tilespmem:s30], [sflag:$0x2], $0x80, $0x38;
	[tilespmem:$0x18A00] =	vst v63  }
0x96: {  	s28 =	sadd.s32 $0x70, s22;
	s25 =	sadd.s32 $0x198, s26;
	s29 =	sadd.s32 $0x30, s22  }
0x97: {  	[hbm4b:s29+s2] =	stream.linear.scatter [tilespmem:s25], [sflag:$0x2], $0x80, $0x38;
	[tilespmem:$0x18A00] =	vst v63  }
0x98: {  	s30 =	sadd.s32 $0x220, s26;
	s31 =	sadd.s32 $0x40, s22;
	s25 =	sadd.s32 $0x2A8, s26  }
0x99: {  	[hbm4b:s31+s2] =	stream.linear.scatter [tilespmem:s30], [sflag:$0x2], $0x80, $0x38;
	[tilespmem:$0x18A00] =	vst v63  }
0x9a: {  	s29 =	sadd.s32 $0x50, s22;
	s30 =	sadd.s32 $0x330, s26;
	s31 =	sadd.s32 $0x60, s22  }
0x9b: {  	[hbm4b:s29+s2] =	stream.linear.scatter [tilespmem:s25], [sflag:$0x2], $0x80, $0x38;
	[tilespmem:$0x18A00] =	vst v63  }
0x9c: {  	s26 =	sadd.s32 $0x3B8, s26;
	s22 =	sadd.s32 $0x1000, s22;
	s25 =	simm.s32 $0x2200  }
0x9d: {  	[hbm4b:s31+s2] =	stream.linear.scatter [tilespmem:s30], [sflag:$0x2], $0x80, $0x38;
	[tilespmem:$0x18A00] =	vst v63  }
.LBB2_5:
0x9e: {  	[hbm4b:s28+s2] =	stream.linear.scatter [tilespmem:s26], [sflag:$0x2], $0x80, $0x38;
	[tilespmem:$0x18A00] =	vst v63  }
0x9f: {  	s26 =	smov.u32 s25  }
0xa0: {  	s29 =	sadd.s32 $0x1100, s25;
	s28 =	sadd.s32 s24, s23;
	s24 =	sshra.s32 s26, $0x2  }
0xa1: {  	[hbm4b:s22+s2] =	stream.linear.scatter [tilespmem:s28], [sflag:$0x2], $0x80, $0x38;
	[tilespmem:$0x18A00] =	vst v63  }
0xa2: {  	p0 =	sne.s32 s25, $0x7700;
	s25 =	sadd.s32 $0x88, s28;
	s26 =	sadd.s32 $0x10, s22  }
0xa3: {  	[hbm4b:s26+s2] =	stream.linear.scatter [tilespmem:s25], [sflag:$0x2], $0x80, $0x38;
	[tilespmem:$0x18A00] =	vst v63  }
0xa4: {  	s25 =	sadd.s32 $0x110, s28;
	s26 =	sadd.s32 $0x20, s22  }
0xa5: {  	[hbm4b:s26+s2] =	stream.linear.scatter [tilespmem:s25], [sflag:$0x2], $0x80, $0x38;
	[tilespmem:$0x18A00] =	vst v63  }
0xa6: {  	s25 =	sadd.s32 $0x198, s28;
	s26 =	sadd.s32 $0x30, s22  }
0xa7: {  	[hbm4b:s26+s2] =	stream.linear.scatter [tilespmem:s25], [sflag:$0x2], $0x80, $0x38;
	[tilespmem:$0x18A00] =	vst v63  }
0xa8: {  	s25 =	sadd.s32 $0x220, s28;
	s26 =	sadd.s32 $0x40, s22  }
0xa9: {  	[hbm4b:s26+s2] =	stream.linear.scatter [tilespmem:s25], [sflag:$0x2], $0x80, $0x38;
	[tilespmem:$0x18A00] =	vst v63  }
0xaa: {  	s25 =	sadd.s32 $0x2A8, s28;
	s26 =	sadd.s32 $0x50, s22  }
0xab: {  	[hbm4b:s26+s2] =	stream.linear.scatter [tilespmem:s25], [sflag:$0x2], $0x80, $0x38;
	[tilespmem:$0x18A00] =	vst v63  }
.Ltmp1:
0xac: {  	_ = 	snop;
	(pc) =	sbr.rel @p0 .LBB2_5-.Ltmp1, $4  }
0xad: {  	s25 =	sadd.s32 $0x330, s28;
	s26 =	sadd.s32 $0x60, s22  }
0xae: {  	[hbm4b:s26+s2] =	stream.linear.scatter [tilespmem:s25], [sflag:$0x2], $0x80, $0x38;
	[tilespmem:$0x18A00] =	vst v63  }
0xaf: {  	s26 =	sadd.s32 $0x3B8, s28  }
0xb0: {  	s28 =	sadd.s32 $0x70, s22;
	s22 =	sadd.s32 $0x1000, s22;
	s25 =	smov.u32 s29  }
0xb1: {  	[hbm4b:s28+s2] =	stream.linear.scatter [tilespmem:s26], [sflag:$0x2], $0x80, $0x38;
	[tilespmem:$0x18A00] =	vst v63  }
0xb2: {  	s23 =	sadd.s32 s24, s23  }
0xb3: {  	[hbm4b:s22+s2] =	stream.linear.scatter [tilespmem:s23], [sflag:$0x2], $0x80, $0x38;
	[tilespmem:$0x18A00] =	vst v63  }
0xb4: {  	s25 =	sadd.s32 $0x10, s22;
	s24 =	sadd.s32 $0x88, s23  }
0xb5: {  	[hbm4b:s25+s2] =	stream.linear.scatter [tilespmem:s24], [sflag:$0x2], $0x80, $0x38;
	[tilespmem:$0x18A00] =	vst v63  }
0xb6: {  	s26 =	sadd.s32 $0x20, s22;
	s25 =	sadd.s32 $0x110, s23  }
0xb7: {  	[hbm4b:s26+s2] =	stream.linear.scatter [tilespmem:s25], [sflag:$0x2], $0x80, $0x38;
	[tilespmem:$0x18A00] =	vst v63  }
0xb8: {  	s29 =	sadd.s32 $0x30, s22;
	s28 =	sadd.s32 $0x198, s23  }
0xb9: {  	[hbm4b:s29+s2] =	stream.linear.scatter [tilespmem:s28], [sflag:$0x2], $0x80, $0x38;
	[tilespmem:$0x18A00] =	vst v63  }
0xba: {  	s31 =	sadd.s32 $0x40, s22;
	p0 =	sgt.u32 s21, $0xC3;
	s30 =	sadd.s32 $0x220, s23  }
0xbb: {  	[hbm4b:s31+s2] =	stream.linear.scatter [tilespmem:s30], [sflag:$0x2], $0x80, $0x38;
	[tilespmem:$0x18A00] =	vst v63  }
0xbc: {  	s24 =	sadd.s32 @!p0 $0x4, s21;
	s26 =	sadd.s32 $0x2A8, s23;
	s28 =	sadd.s32 $0x50, s22  }
0xbd: {  	[hbm4b:s28+s2] =	stream.linear.scatter [tilespmem:s26], [sflag:$0x2], $0x80, $0x38;
	[tilespmem:$0x18A00] =	vst v63  }
0xbe: {  	s29 =	sadd.s32 $0x330, s23;
	s30 =	sadd.s32 $0x60, s22;
	s28 =	smul.u32 @!p0 $0xAB, s24  }
0xbf: {  	[hbm4b:s30+s2] =	stream.linear.scatter [tilespmem:s29], [sflag:$0x2], $0x80, $0x38;
	[tilespmem:$0x18A00] =	vst v63  }
0xc0: {  	s25 =	sshrl.u32 @!p0 s28, $0xA  }
0xc1: {  	s25 =	sand.u32 @!p0 $0x3F, s25  }
0xc2: {  	s23 =	sadd.s32 $0x3B8, s23;
	s31 =	sadd.s32 $0x70, s22;
	s25 =	smul.u32 @!p0 $0x6, s25  }
0xc3: {  	[hbm4b:s31+s2] =	stream.linear.scatter [tilespmem:s23], [sflag:$0x2], $0x80, $0x38;
	[tilespmem:$0x18A00] =	vst v63  }
0xc4: {  	s22 =	ssub.s32 @!p0 s24, s25  }
0xc5: {  	s22 =	sand.u32 @!p0 $0xFF, s22  }
0xc6: {  	s21 =	sadd.s32 $0x1, s21;
	s23 =	sshll.u32 @!p0 s24, $0x7;
	s22 =	sshll.u32 @!p0 s22, $0xD  }
0xc7: {  	s23 =	sand.u32 @!p0 $0x3FFFFF80, s23;
	s24 =	simm.s32 @!p0 $0x80;
	s22 =	sadd.s32 @!p0 $0x6400, s22  }
0xc8: {  	[tilespmem:s22], [sflag:$0x1] =	stream.indirect.gather @!p0 [hbm4b:s3+s24], $0x40, s23, s24, $0xb8;
	[tilespmem:$0x18A00] =	vst v63  }
0xc9: {  	p0 =	sne.s32 s21, $0xC8  }
.Ltmp2:
0xca: {  	_ = 	snop;
	(pc) =	sbr.rel @p0 .LBB2_2-.Ltmp2, $2  }
0xcb: {  	_ =	sdelay $0x2  }
0xcc: {  	s19 =	sadd.s32 $0x2000, s19;
	s20 =	sadd.s32 $0x2200, s20  }
0xcd: {  	_ =	swait.ge [sflag:s17], $0x2000  }
0xce: {  	[sflag:s17] =	ssyncset.done $0x0  }
0xcf: {  	s18 =	sadd.s32 $0x1, s18;
	[sflag:s17] =	ssyncadd.s32 $0xFFFFE000  }
0xd0: {  	p0 =	sne.s32 s18, s6;
	_ =	swait.ge [sflag:s17], $0x2000  }
.Ltmp3:
0xd1: {  	[sflag:s17] =	ssyncset.done $0x0;
	(pc) =	sbr.rel @p0 .LBB2_1-.Ltmp3, $4  }
0xd2: {  	[sflag:s17] =	ssyncadd.s32 $0xFFFFE000  }
0xd3: {  	_ =	swait.ge [sflag:s17], $0x2000  }
0xd4: {  	[sflag:s17] =	ssyncset.done $0x0  }
0xd5: {  	[sflag:s17] =	ssyncadd.s32 $0xFFFFE000  }
0xd6: {  	_ =	sfence.sel $0x180000  }
0xd7: {  	[bflag:$0x0] =	sbarrier.arrive $0xFFFF  }
0xd8: {  	p0 =	sne.s32 s0, $0x0;
	_ =	strace $0x90000047  }
0xd9: {  	s0 =	sadd.s32 @!p0 $0x100000, s1;
	[bflag:$0x2] =	sbarrier.arrive $0xFFFF  }
0xda: {  	[sflag:s0] =	ssyncadd.tile.s32 @!p0 $0x1;
	_ =	shalt  }
.Lfunc_end2:
_tile_overlayer_lowered:
.L_overlay_start_2:
0xdb: {  	(tag) =	ssettag $0x2  }
0xdc: {  	s0 =	rddreg [dreg:$0x0];
	s2 =	stileid.u32  }
0xdd: {  	s1 =	rddreg [dreg:$0x1];
	p0 =	sne.s32 s2, $0x0  }
0xde: {  	s3 =	rddreg [dreg:$0x2];
	[bflag:$0x3] =	sbarrier.arrive $0xFFFF;
	s2 =	simm.s32 @!p0 $0x1C03  }
0xdf: {  	[timem:s3], [sflag:s2] =	dma.local @!p0 [hbm:s0], s1  }
0xe0: {  	s0 =	simm.s32 @!p0 $0x3  }
0xe1: {  	_ =	swait.ge @!p0 [sflag:s0], s1  }
0xe2: {  	s1 =	ssub.s32 @!p0 $0x0, s1;
	[sflag:s0] =	ssyncset.done @!p0 $0x0  }
0xe3: {  	[sflag:s0] =	ssyncadd.s32 @!p0 s1  }
0xe4: {  	[bflag:$0x3] =	sbarrier.arrive $0xFFFF  }
0xe5: {  	_ =	shalt  }

</sc_bundles>
